<compile_context>
chip_gen: v7x
topology: tpu7x:2x2x1
jax: 0.10.2.dev20260603
libtpu: 0.0.44.dev20260713+nightly
codegen_flags: <defaults>
</compile_context>

<pallas_src>
import functools

import jax
import jax.numpy as jnp
from jax import lax
from jax.experimental import pallas as pl
from jax.experimental.pallas import tpu as pltpu
from jax.experimental.pallas import tpu_sc as plsc

N = 10000
E = 320000
D = 16
LPR = 128
R = E // LPR
NC = 2
NS = 16
NW = NC * NS
ROWS_BASE = R // NW
ROWS_REM = R - ROWS_BASE * NW
MAX_ROWS = ROWS_BASE + 1
STG = 624
STG_TAIL_START = STG * NS
STG_TAIL = N - STG_TAIL_START
ALPHA = 0.25

@functools.lru_cache(maxsize=None)
def _sc_mesh():
    return plsc.VectorSubcoreMesh(
        core_axis_name="c", subcore_axis_name="s", num_cores=NC, num_subcores=NS)


def _worker_range(w):
    start = w * ROWS_BASE + jnp.minimum(w, ROWS_REM)
    cnt = ROWS_BASE + (w < ROWS_REM).astype(jnp.int32)
    return start, cnt


def _copy_node_slices(s, src_at, dst_at):
    base = pl.multiple_of(s * STG, 8)
    pltpu.sync_copy(src_at(base, STG), dst_at(base, STG))

    @pl.when(s == NS - 1)
    def _tail():
        pltpu.sync_copy(src_at(STG_TAIL_START, STG_TAIL),
                        dst_at(STG_TAIL_START, STG_TAIL))


def _stage_worker_idx(src_rows, idx_all, w, start):
    pltpu.sync_copy(src_rows.at[pl.ds(start, ROWS_BASE)],
                    idx_all.at[pl.ds(0, ROWS_BASE)])

    @pl.when(w < ROWS_REM)
    def _extra():
        pltpu.sync_copy(src_rows.at[pl.ds(start + ROWS_BASE, 1)],
                        idx_all.at[pl.ds(ROWS_BASE, 1)])


def _gather_body(src_rows, node_tab, xout, idx_all, rows_v, node_sh):
    c = lax.axis_index("c")
    s = lax.axis_index("s")
    w = s * NC + c

    _copy_node_slices(s,
                      lambda b, n: node_tab.at[pl.ds(b, n)],
                      lambda b, n: node_sh.at[pl.ds(b, n)])
    start, cntw = _worker_range(w)
    _stage_worker_idx(src_rows, idx_all, w, start)
    plsc.subcore_barrier()

    def body(i, carry):
        @pl.when(i < cntw)
        def _do():
            base = pl.multiple_of((start + i) * LPR, LPR)
            pltpu.sync_copy(node_sh.at[idx_all.at[i]], rows_v)
            pltpu.sync_copy(rows_v, xout.at[pl.ds(base, LPR)])
        return carry

    lax.fori_loop(0, MAX_ROWS, body, 0)


@functools.lru_cache(maxsize=None)
def _sc_gather():
    return pl.kernel(
        _gather_body,
        out_type=jax.ShapeDtypeStruct((E, D), jnp.float32),
        mesh=_sc_mesh(),
        compiler_params=pltpu.CompilerParams(use_tc_tiling_on_sc=False),
        scratch_types=[
            pltpu.VMEM((MAX_ROWS, LPR), jnp.int32),
            pltpu.VMEM((LPR, D), jnp.float32),
            pltpu.VMEM_SHARED((N, D), jnp.float32),
        ],
    )


_BATCH = 8


def _scatter_body(dst_rows, summand, zeros_hbm, ones_hbm, sums_out, cnt_out,
                  idx_all, upd_all, ones_v, sums_sh, cnt_sh):
    c = lax.axis_index("c")
    s = lax.axis_index("s")
    w = s * NC + c

    pltpu.sync_copy(ones_hbm, ones_v)
    _copy_node_slices(s,
                      lambda b, n: zeros_hbm.at[pl.ds(b, n)],
                      lambda b, n: sums_sh.at[pl.ds(b, n)])
    _copy_node_slices(s,
                      lambda b, n: zeros_hbm.at[pl.ds(b, n)],
                      lambda b, n: cnt_sh.at[pl.ds(b, n)])
    start, cntw = _worker_range(w)
    _stage_worker_idx(dst_rows, idx_all, w, start)
    plsc.subcore_barrier()

    fb = cntw // _BATCH

    def batch_body(bi, carry):
        @pl.when(bi < fb)
        def _do():
            base = pl.multiple_of((start + bi * _BATCH) * LPR, LPR)
            pltpu.sync_copy(summand.at[pl.ds(base, _BATCH * LPR)], upd_all)
            for k in range(_BATCH):
                idxr = idx_all.at[bi * _BATCH + k]
                pltpu.sync_copy(upd_all.at[pl.ds(k * LPR, LPR)],
                                sums_sh.at[idxr], add=True)
                pltpu.sync_copy(ones_v, cnt_sh.at[idxr], add=True)
        return carry

    lax.fori_loop(0, MAX_ROWS // _BATCH + 1, batch_body, 0)

    def rem_body(i, carry):
        base = pl.multiple_of((start + i) * LPR, LPR)
        pltpu.sync_copy(summand.at[pl.ds(base, LPR)], upd_all.at[pl.ds(0, LPR)])
        pltpu.sync_copy(upd_all.at[pl.ds(0, LPR)], sums_sh.at[idx_all.at[i]],
                        add=True)
        pltpu.sync_copy(ones_v, cnt_sh.at[idx_all.at[i]], add=True)
        return carry

    lax.fori_loop(fb * _BATCH, cntw, rem_body, 0)
    plsc.subcore_barrier()

    _copy_node_slices(s,
                      lambda b, n: sums_sh.at[pl.ds(b, n)],
                      lambda b, n: sums_out.at[c].at[pl.ds(b, n)])
    _copy_node_slices(s,
                      lambda b, n: cnt_sh.at[pl.ds(b, n)],
                      lambda b, n: cnt_out.at[c].at[pl.ds(b, n)])


@functools.lru_cache(maxsize=None)
def _sc_scatter():
    return pl.kernel(
        _scatter_body,
        out_type=(jax.ShapeDtypeStruct((NC, N, D), jnp.float32),
                  jax.ShapeDtypeStruct((NC, N, D), jnp.float32)),
        mesh=_sc_mesh(),
        compiler_params=pltpu.CompilerParams(use_tc_tiling_on_sc=False),
        scratch_types=[
            pltpu.VMEM((MAX_ROWS, LPR), jnp.int32),
            pltpu.VMEM((_BATCH * LPR, D), jnp.float32),
            pltpu.VMEM((LPR, D), jnp.float32),
            pltpu.VMEM_SHARED((N, D), jnp.float32),
            pltpu.VMEM_SHARED((N, D), jnp.float32),
        ],
    )


_BE = 2000


def _dense_block(ea_ref, x_ref, sh_ref, w1_ref, b1_ref, w2_ref, b2_ref,
                 trep_ref, ssum_ref, out_ref):
    ea = ea_ref[...]
    x = x_ref[...]
    h = jnp.maximum(
        jnp.dot(ea, w1_ref[...], preferred_element_type=jnp.float32)
        + b1_ref[...], 0.0)
    w = jnp.dot(h.astype(jnp.bfloat16), w2_ref[...],
                preferred_element_type=jnp.float32) + b2_ref[...]
    xs = (x * (ALPHA * sh_ref[...])).astype(jnp.bfloat16)
    xr = jnp.dot(xs, trep_ref[...], preferred_element_type=jnp.float32)
    t = (w * xr).astype(jnp.bfloat16)
    out_ref[...] = jnp.dot(t, ssum_ref[...], preferred_element_type=jnp.float32)


def _tc_dense(edge_attr, x_src, edge_sh, W1, b1, W2, b2):
    nef = edge_attr.shape[1]
    wn = W2.shape[1]
    trep = jnp.repeat(jnp.eye(D, dtype=jnp.bfloat16), D, axis=1)
    ssum = jnp.tile(jnp.eye(D, dtype=jnp.bfloat16), (D, 1))
    return pl.pallas_call(
        _dense_block,
        grid=(E // _BE,),
        in_specs=[
            pl.BlockSpec((_BE, nef), lambda i: (i, 0)),
            pl.BlockSpec((_BE, D), lambda i: (i, 0)),
            pl.BlockSpec((_BE, 1), lambda i: (i, 0)),
            pl.BlockSpec((nef, nef), lambda i: (0, 0)),
            pl.BlockSpec((1, nef), lambda i: (0, 0)),
            pl.BlockSpec((nef, wn), lambda i: (0, 0)),
            pl.BlockSpec((1, wn), lambda i: (0, 0)),
            pl.BlockSpec((D, wn), lambda i: (0, 0)),
            pl.BlockSpec((wn, D), lambda i: (0, 0)),
        ],
        out_specs=pl.BlockSpec((_BE, D), lambda i: (i, 0)),
        out_shape=jax.ShapeDtypeStruct((E, D), jnp.float32),
    )(edge_attr, x_src, edge_sh, W1, b1, W2.astype(jnp.bfloat16), b2,
      trep, ssum)


def _finish_block(s0_ref, s1_ref, c0_ref, c1_ref, na_ref, bw_ref, bb_ref, out_ref):
    total = s0_ref[...] + s1_ref[...]
    cnt = jnp.maximum(c0_ref[...] + c1_ref[...], 1.0)
    out = total / cnt + na_ref[...]
    fmean = jnp.mean(out, axis=0, keepdims=True)
    centered = out - fmean
    fnorm = jnp.mean(centered * centered, axis=0, keepdims=True)
    out_ref[...] = centered * lax.rsqrt(fnorm + 1e-5) * bw_ref[...] + bb_ref[...]


def _tc_finish(s0, s1, c0, c1, node_attr, bn_w, bn_b):
    return pl.pallas_call(
        _finish_block,
        out_shape=jax.ShapeDtypeStruct((N, D), jnp.float32),
    )(s0, s1, c0, c1, node_attr, bn_w, bn_b)


def kernel(node_attr, edge_index, edge_attr, edge_sh, W1, b1, W2, b2,
           bn_weight, bn_bias):
    edge_src = edge_index[0].reshape(R, LPR)
    edge_dst = edge_index[1].reshape(R, LPR)
    x_src = _sc_gather()(edge_src, node_attr)
    summand = _tc_dense(edge_attr, x_src, edge_sh, W1,
                        b1.reshape(1, -1), W2, b2.reshape(1, -1))
    zeros_hbm = jnp.zeros((N, D), jnp.float32)
    ones_hbm = jnp.ones((LPR, D), jnp.float32)
    sums_p, cnt_p = _sc_scatter()(edge_dst, summand, zeros_hbm, ones_hbm)
    return _tc_finish(sums_p[0], sums_p[1], cnt_p[0], cnt_p[1], node_attr,
                      bn_weight.reshape(1, -1), bn_bias.reshape(1, -1))

# --- scband reference (transcript-rebuilt; emitter-appended) ---
"""Pipeline reference for scband-tensor-product-conv-layer-19894288515355 (READ-ONLY COPY).

The authoritative reference and input builder live on the scoring server;
editing this copy changes nothing except your own understanding.
"""

import jax, jax.numpy as jnp
import numpy as np

N, E, D, NEF = 10000, 320000, 16, 16
WN = D * 1 * D  # FullyConnectedTensorProduct weight_numel for 16x0e (x) 1x0e -> 16x0e


def setup_inputs(seed: int = 0) -> dict:
    key = jax.random.key(seed)
    ks = jax.random.split(key, 10)
    inp = {}
    inp['node_attr'] = jax.random.normal(ks[0], (N, D), jnp.float32)
    inp['edge_index'] = jax.random.randint(ks[1], (2, E), 0, N, dtype=jnp.int32)
    inp['edge_attr'] = jax.random.normal(ks[2], (E, NEF), jnp.float32)
    inp['edge_sh'] = jax.random.normal(ks[3], (E, 1), jnp.float32)
    # fc: Linear(NEF, NEF) -> ReLU -> Linear(NEF, WN)
    inp['W1'] = jax.random.normal(ks[4], (NEF, NEF), jnp.float32) / np.sqrt(NEF)
    inp['b1'] = jnp.zeros((NEF,), jnp.float32)
    inp['W2'] = jax.random.normal(ks[5], (NEF, WN), jnp.float32) / np.sqrt(NEF)
    inp['b2'] = jnp.zeros((WN,), jnp.float32)
    # e3nn BatchNorm affine params for 16 scalar (0e) fields
    inp['bn_weight'] = jnp.ones((D,), jnp.float32)
    inp['bn_bias'] = jnp.zeros((D,), jnp.float32)
    return inp


def reference(node_attr, edge_index, edge_attr, edge_sh, W1, b1, W2, b2, bn_weight, bn_bias):
    edge_src = edge_index[0]
    edge_dst = edge_index[1]
    n_nodes, d = node_attr.shape
    n_edges = edge_attr.shape[0]
    # fc(edge_attr) -> per-edge tensor-product weights [E, weight_numel]
    h = jax.nn.relu(jnp.dot(edge_attr, W1) + b1)
    weights = jnp.dot(h, W2) + b2  # [E, D*1*D]
    w3 = weights.reshape(n_edges, d, 1, d)
    # gather source node features (SparseCore gather)
    x_src = jnp.take(node_attr, edge_src, axis=0)  # [E, D]
    # FullyConnectedTensorProduct 16x0e (x) 1x0e -> 16x0e, shared_weights=False
    # path normalization: alpha = 1/sqrt(mul_in * mul_sh)
    alpha = 1.0 / np.sqrt(d * 1)
    summand = alpha * jnp.einsum('eijk,ei,ej->ek', w3, x_src, edge_sh)  # [E, D]
    # scatter(reduce='mean') over dst nodes (SparseCore scatter-add)
    sums = jax.ops.segment_sum(summand, edge_dst, num_segments=n_nodes)
    cnt = jax.ops.segment_sum(jnp.ones((n_edges,), jnp.float32), edge_dst, num_segments=n_nodes)
    out_tp = sums / jnp.clip(cnt, 1.0, None)[:, None]
    # residual (out dim == in dim, so F.pad is a no-op)
    out = out_tp + node_attr
    # e3nn BatchNorm (training-mode batch stats) over 16 scalar fields
    fmean = jnp.mean(out, axis=0)
    centered = out - fmean
    fnorm = jnp.mean(centered ** 2, axis=0)
    out = centered * ((fnorm + 1e-5) ** (-0.5)) * bn_weight + bn_bias
    return out

if __name__ == "__main__":
    import jax
    _d = setup_inputs()
    print(jax.jit(kernel)(*tuple(_d.values())))

</pallas_src>

<mosaic_0001>
#map = affine_map<(d0, d1) -> (0, 0)>
#map1 = affine_map<(d0, d1) -> (0, 0, 0)>
module attributes {stable_mosaic.version = 14 : i64} {
  func.func @_scatter_body(%arg0: i32, %arg1: i32, %arg2: memref<2500x128xi32, #tpu.memory_space<hbm>>, %arg3: memref<320000x16xf32, #tpu.memory_space<hbm>>, %arg4: memref<10000x16xf32, #tpu.memory_space<hbm>>, %arg5: memref<128x16xf32, #tpu.memory_space<hbm>>, %arg6: memref<2x10000x16xf32, #tpu.memory_space<hbm>>, %arg7: memref<2x10000x16xf32, #tpu.memory_space<hbm>>, %arg8: memref<79x128xi32, #tpu.memory_space<vmem>>, %arg9: memref<1024x16xf32, #tpu.memory_space<vmem>>, %arg10: memref<128x16xf32, #tpu.memory_space<vmem>>, %arg11: memref<10000x16xf32, #tpu.memory_space<vmem_shared>>, %arg12: memref<10000x16xf32, #tpu.memory_space<vmem_shared>>) attributes {dimension_semantics = [#tpu.dimension_semantics<core_parallel>, #tpu.dimension_semantics<subcore_parallel>], iteration_bounds = array<i64: 2, 16>, scalar_prefetch = 0 : i64, scratch_operands = 5 : i64, tpu.core_type = #tpu.core_type<sc_vector_subcore>, window_params = [{transform_indices = #map}, {transform_indices = #map}, {transform_indices = #map}, {transform_indices = #map}, {transform_indices = #map1}, {transform_indices = #map1}]} {
    %mul3A = arith.constant 2 : i32
    %mul3A_0 = arith.muli %arg1, %mul3A : i32
    %add3A = arith.addi %mul3A_0, %arg0 : i32
    "tpu.region"() ({
      %run_scoped3A = tpu.sem_alloc : memref<!tpu.dma_semaphore, #tpu.memory_space<semaphore_mem>>
      tpu.enqueue_dma source(%arg5 : memref<128x16xf32, #tpu.memory_space<hbm>>) target(%arg10 : memref<128x16xf32, #tpu.memory_space<vmem>>) target_semaphore(%run_scoped3A : memref<!tpu.dma_semaphore, #tpu.memory_space<semaphore_mem>>)
      tpu.wait_dma2 semaphore(%run_scoped3A : memref<!tpu.dma_semaphore, #tpu.memory_space<semaphore_mem>>) src(%arg5 : memref<128x16xf32, #tpu.memory_space<hbm>>) dst(%arg10 : memref<128x16xf32, #tpu.memory_space<vmem>>)
      tpu.yield
    }) : () -> ()
    %mul3A_1 = arith.constant 624 : i32
    %mul3A_2 = arith.muli %arg1, %mul3A_1 : i32
    %multiple_of3A = tpu.assume_multiple %mul3A_2, 8 : i32
    "tpu.region"() ({
      %run_scoped3A = tpu.sem_alloc : memref<!tpu.dma_semaphore, #tpu.memory_space<semaphore_mem>>
      %dma_start3A = arith.constant 0 : i32
      %dma_start3A_74 = tpu.memref_slice %arg11[%multiple_of3A, %dma_start3A] : memref<10000x16xf32, #tpu.memory_space<vmem_shared>> -> memref<624x16xf32, #tpu.memory_space<vmem_shared>>
      %dma_start3A_75 = arith.constant 0 : i32
      %dma_start3A_76 = tpu.memref_slice %arg4[%multiple_of3A, %dma_start3A_75] : memref<10000x16xf32, #tpu.memory_space<hbm>> -> memref<624x16xf32, #tpu.memory_space<hbm>>
      tpu.enqueue_dma source(%dma_start3A_76 : memref<624x16xf32, #tpu.memory_space<hbm>>) target(%dma_start3A_74 : memref<624x16xf32, #tpu.memory_space<vmem_shared>>) target_semaphore(%run_scoped3A : memref<!tpu.dma_semaphore, #tpu.memory_space<semaphore_mem>>)
      %dma_wait3A = arith.constant 0 : i32
      %dma_wait3A_77 = tpu.memref_slice %arg11[%multiple_of3A, %dma_wait3A] : memref<10000x16xf32, #tpu.memory_space<vmem_shared>> -> memref<624x16xf32, #tpu.memory_space<vmem_shared>>
      %dma_wait3A_78 = arith.constant 0 : i32
      %dma_wait3A_79 = tpu.memref_slice %arg4[%multiple_of3A, %dma_wait3A_78] : memref<10000x16xf32, #tpu.memory_space<hbm>> -> memref<624x16xf32, #tpu.memory_space<hbm>>
      tpu.wait_dma2 semaphore(%run_scoped3A : memref<!tpu.dma_semaphore, #tpu.memory_space<semaphore_mem>>) src(%dma_wait3A_79 : memref<624x16xf32, #tpu.memory_space<hbm>>) dst(%dma_wait3A_77 : memref<624x16xf32, #tpu.memory_space<vmem_shared>>)
      tpu.yield
    }) : () -> ()
    %eq3A = arith.constant 15 : i32
    %eq3A_3 = arith.cmpi eq, %arg1, %eq3A : i32
    %convert_element_type3A = arith.extui %eq3A_3 : i1 to i32
    %cond3A = arith.constant 0 : i32
    %cond3A_4 = arith.cmpi ne, %convert_element_type3A, %cond3A : i32
    scf.if %cond3A_4 {
      "tpu.region"() ({
        %run_scoped3A = tpu.sem_alloc : memref<!tpu.dma_semaphore, #tpu.memory_space<semaphore_mem>>
        %dma_start3A = arith.constant 9984 : i32
        %dma_start3A_74 = arith.constant 0 : i32
        %dma_start3A_75 = tpu.memref_slice %arg11[%dma_start3A, %dma_start3A_74] : memref<10000x16xf32, #tpu.memory_space<vmem_shared>> -> memref<16x16xf32, #tpu.memory_space<vmem_shared>>
        %dma_start3A_76 = arith.constant 9984 : i32
        %dma_start3A_77 = arith.constant 0 : i32
        %dma_start3A_78 = tpu.memref_slice %arg4[%dma_start3A_76, %dma_start3A_77] : memref<10000x16xf32, #tpu.memory_space<hbm>> -> memref<16x16xf32, #tpu.memory_space<hbm>>
        tpu.enqueue_dma source(%dma_start3A_78 : memref<16x16xf32, #tpu.memory_space<hbm>>) target(%dma_start3A_75 : memref<16x16xf32, #tpu.memory_space<vmem_shared>>) target_semaphore(%run_scoped3A : memref<!tpu.dma_semaphore, #tpu.memory_space<semaphore_mem>>)
        %dma_wait3A = arith.constant 9984 : i32
        %dma_wait3A_79 = arith.constant 0 : i32
        %dma_wait3A_80 = tpu.memref_slice %arg11[%dma_wait3A, %dma_wait3A_79] : memref<10000x16xf32, #tpu.memory_space<vmem_shared>> -> memref<16x16xf32, #tpu.memory_space<vmem_shared>>
        %dma_wait3A_81 = arith.constant 9984 : i32
        %dma_wait3A_82 = arith.constant 0 : i32
        %dma_wait3A_83 = tpu.memref_slice %arg4[%dma_wait3A_81, %dma_wait3A_82] : memref<10000x16xf32, #tpu.memory_space<hbm>> -> memref<16x16xf32, #tpu.memory_space<hbm>>
        tpu.wait_dma2 semaphore(%run_scoped3A : memref<!tpu.dma_semaphore, #tpu.memory_space<semaphore_mem>>) src(%dma_wait3A_83 : memref<16x16xf32, #tpu.memory_space<hbm>>) dst(%dma_wait3A_80 : memref<16x16xf32, #tpu.memory_space<vmem_shared>>)
        tpu.yield
      }) : () -> ()
    } else {
    }
    %mul3A_5 = arith.constant 624 : i32
    %mul3A_6 = arith.muli %arg1, %mul3A_5 : i32
    %multiple_of3A_7 = tpu.assume_multiple %mul3A_6, 8 : i32
    "tpu.region"() ({
      %run_scoped3A = tpu.sem_alloc : memref<!tpu.dma_semaphore, #tpu.memory_space<semaphore_mem>>
      %dma_start3A = arith.constant 0 : i32
      %dma_start3A_74 = tpu.memref_slice %arg12[%multiple_of3A_7, %dma_start3A] : memref<10000x16xf32, #tpu.memory_space<vmem_shared>> -> memref<624x16xf32, #tpu.memory_space<vmem_shared>>
      %dma_start3A_75 = arith.constant 0 : i32
      %dma_start3A_76 = tpu.memref_slice %arg4[%multiple_of3A_7, %dma_start3A_75] : memref<10000x16xf32, #tpu.memory_space<hbm>> -> memref<624x16xf32, #tpu.memory_space<hbm>>
      tpu.enqueue_dma source(%dma_start3A_76 : memref<624x16xf32, #tpu.memory_space<hbm>>) target(%dma_start3A_74 : memref<624x16xf32, #tpu.memory_space<vmem_shared>>) target_semaphore(%run_scoped3A : memref<!tpu.dma_semaphore, #tpu.memory_space<semaphore_mem>>)
      %dma_wait3A = arith.constant 0 : i32
      %dma_wait3A_77 = tpu.memref_slice %arg12[%multiple_of3A_7, %dma_wait3A] : memref<10000x16xf32, #tpu.memory_space<vmem_shared>> -> memref<624x16xf32, #tpu.memory_space<vmem_shared>>
      %dma_wait3A_78 = arith.constant 0 : i32
      %dma_wait3A_79 = tpu.memref_slice %arg4[%multiple_of3A_7, %dma_wait3A_78] : memref<10000x16xf32, #tpu.memory_space<hbm>> -> memref<624x16xf32, #tpu.memory_space<hbm>>
      tpu.wait_dma2 semaphore(%run_scoped3A : memref<!tpu.dma_semaphore, #tpu.memory_space<semaphore_mem>>) src(%dma_wait3A_79 : memref<624x16xf32, #tpu.memory_space<hbm>>) dst(%dma_wait3A_77 : memref<624x16xf32, #tpu.memory_space<vmem_shared>>)
      tpu.yield
    }) : () -> ()
    %eq3A_8 = arith.constant 15 : i32
    %eq3A_9 = arith.cmpi eq, %arg1, %eq3A_8 : i32
    %convert_element_type3A_10 = arith.extui %eq3A_9 : i1 to i32
    %cond3A_11 = arith.constant 0 : i32
    %cond3A_12 = arith.cmpi ne, %convert_element_type3A_10, %cond3A_11 : i32
    scf.if %cond3A_12 {
      "tpu.region"() ({
        %run_scoped3A = tpu.sem_alloc : memref<!tpu.dma_semaphore, #tpu.memory_space<semaphore_mem>>
        %dma_start3A = arith.constant 9984 : i32
        %dma_start3A_74 = arith.constant 0 : i32
        %dma_start3A_75 = tpu.memref_slice %arg12[%dma_start3A, %dma_start3A_74] : memref<10000x16xf32, #tpu.memory_space<vmem_shared>> -> memref<16x16xf32, #tpu.memory_space<vmem_shared>>
        %dma_start3A_76 = arith.constant 9984 : i32
        %dma_start3A_77 = arith.constant 0 : i32
        %dma_start3A_78 = tpu.memref_slice %arg4[%dma_start3A_76, %dma_start3A_77] : memref<10000x16xf32, #tpu.memory_space<hbm>> -> memref<16x16xf32, #tpu.memory_space<hbm>>
        tpu.enqueue_dma source(%dma_start3A_78 : memref<16x16xf32, #tpu.memory_space<hbm>>) target(%dma_start3A_75 : memref<16x16xf32, #tpu.memory_space<vmem_shared>>) target_semaphore(%run_scoped3A : memref<!tpu.dma_semaphore, #tpu.memory_space<semaphore_mem>>)
        %dma_wait3A = arith.constant 9984 : i32
        %dma_wait3A_79 = arith.constant 0 : i32
        %dma_wait3A_80 = tpu.memref_slice %arg12[%dma_wait3A, %dma_wait3A_79] : memref<10000x16xf32, #tpu.memory_space<vmem_shared>> -> memref<16x16xf32, #tpu.memory_space<vmem_shared>>
        %dma_wait3A_81 = arith.constant 9984 : i32
        %dma_wait3A_82 = arith.constant 0 : i32
        %dma_wait3A_83 = tpu.memref_slice %arg4[%dma_wait3A_81, %dma_wait3A_82] : memref<10000x16xf32, #tpu.memory_space<hbm>> -> memref<16x16xf32, #tpu.memory_space<hbm>>
        tpu.wait_dma2 semaphore(%run_scoped3A : memref<!tpu.dma_semaphore, #tpu.memory_space<semaphore_mem>>) src(%dma_wait3A_83 : memref<16x16xf32, #tpu.memory_space<hbm>>) dst(%dma_wait3A_80 : memref<16x16xf32, #tpu.memory_space<vmem_shared>>)
        tpu.yield
      }) : () -> ()
    } else {
    }
    %mul3A_13 = arith.constant 78 : i32
    %mul3A_14 = arith.muli %add3A, %mul3A_13 : i32
    %min3A = arith.constant 4 : i32
    %min3A_15 = arith.minsi %add3A, %min3A : i32
    %add3A_16 = arith.addi %mul3A_14, %min3A_15 : i32
    %lt3A = arith.constant 4 : i32
    %lt3A_17 = arith.cmpi slt, %add3A, %lt3A : i32
    %convert_element_type3A_18 = arith.extui %lt3A_17 : i1 to i32
    %add3A_19 = arith.constant 78 : i32
    %add3A_20 = arith.addi %add3A_19, %convert_element_type3A_18 : i32
    "tpu.region"() ({
      %run_scoped3A = tpu.sem_alloc : memref<!tpu.dma_semaphore, #tpu.memory_space<semaphore_mem>>
      %dma_start3A = arith.constant 0 : i32
      %dma_start3A_74 = arith.constant 0 : i32
      %dma_start3A_75 = tpu.memref_slice %arg8[%dma_start3A, %dma_start3A_74] : memref<79x128xi32, #tpu.memory_space<vmem>> -> memref<78x128xi32, #tpu.memory_space<vmem>>
      %dma_start3A_76 = arith.constant 0 : i32
      %dma_start3A_77 = tpu.memref_slice %arg2[%add3A_16, %dma_start3A_76] : memref<2500x128xi32, #tpu.memory_space<hbm>> -> memref<78x128xi32, #tpu.memory_space<hbm>>
      %dma_start3A_78 = arith.constant 0 : i32
      %dma_start3A_79 = arith.constant 0 : i32
      %dma_start3A_80 = tpu.memref_slice %arg8[%dma_start3A_78, %dma_start3A_79] : memref<79x128xi32, #tpu.memory_space<vmem>> -> memref<78x128xi32, #tpu.memory_space<vmem>>
      %dma_start3A_81 = arith.constant 0 : i32
      %dma_start3A_82 = tpu.memref_slice %arg2[%add3A_16, %dma_start3A_81] : memref<2500x128xi32, #tpu.memory_space<hbm>> -> memref<78x128xi32, #tpu.memory_space<hbm>>
      tpu.enqueue_dma source(%dma_start3A_82 : memref<78x128xi32, #tpu.memory_space<hbm>>) target(%dma_start3A_80 : memref<78x128xi32, #tpu.memory_space<vmem>>) target_semaphore(%run_scoped3A : memref<!tpu.dma_semaphore, #tpu.memory_space<semaphore_mem>>)
      %dma_wait3A = arith.constant 0 : i32
      %dma_wait3A_83 = arith.constant 0 : i32
      %dma_wait3A_84 = tpu.memref_slice %arg8[%dma_wait3A, %dma_wait3A_83] : memref<79x128xi32, #tpu.memory_space<vmem>> -> memref<78x128xi32, #tpu.memory_space<vmem>>
      %dma_wait3A_85 = arith.constant 0 : i32
      %dma_wait3A_86 = tpu.memref_slice %arg2[%add3A_16, %dma_wait3A_85] : memref<2500x128xi32, #tpu.memory_space<hbm>> -> memref<78x128xi32, #tpu.memory_space<hbm>>
      %dma_wait3A_87 = arith.constant 0 : i32
      %dma_wait3A_88 = arith.constant 0 : i32
      %dma_wait3A_89 = tpu.memref_slice %arg8[%dma_wait3A_87, %dma_wait3A_88] : memref<79x128xi32, #tpu.memory_space<vmem>> -> memref<78x128xi32, #tpu.memory_space<vmem>>
      %dma_wait3A_90 = arith.constant 0 : i32
      %dma_wait3A_91 = tpu.memref_slice %arg2[%add3A_16, %dma_wait3A_90] : memref<2500x128xi32, #tpu.memory_space<hbm>> -> memref<78x128xi32, #tpu.memory_space<hbm>>
      tpu.wait_dma2 semaphore(%run_scoped3A : memref<!tpu.dma_semaphore, #tpu.memory_space<semaphore_mem>>) src(%dma_wait3A_91 : memref<78x128xi32, #tpu.memory_space<hbm>>) dst(%dma_wait3A_89 : memref<78x128xi32, #tpu.memory_space<vmem>>)
      tpu.yield
    }) : () -> ()
    %lt3A_21 = arith.constant 4 : i32
    %lt3A_22 = arith.cmpi slt, %add3A, %lt3A_21 : i32
    %convert_element_type3A_23 = arith.extui %lt3A_22 : i1 to i32
    %cond3A_24 = arith.constant 0 : i32
    %cond3A_25 = arith.cmpi ne, %convert_element_type3A_23, %cond3A_24 : i32
    scf.if %cond3A_25 {
      %add3A_74 = arith.constant 78 : i32
      %add3A_75 = arith.addi %add3A_16, %add3A_74 : i32
      "tpu.region"() ({
        %run_scoped3A = tpu.sem_alloc : memref<!tpu.dma_semaphore, #tpu.memory_space<semaphore_mem>>
        %dma_start3A = arith.constant 78 : i32
        %dma_start3A_76 = arith.constant 0 : i32
        %dma_start3A_77 = tpu.memref_slice %arg8[%dma_start3A, %dma_start3A_76] : memref<79x128xi32, #tpu.memory_space<vmem>> -> memref<1x128xi32, #tpu.memory_space<vmem>>
        %dma_start3A_78 = arith.constant 0 : i32
        %dma_start3A_79 = tpu.memref_slice %arg2[%add3A_75, %dma_start3A_78] : memref<2500x128xi32, #tpu.memory_space<hbm>> -> memref<1x128xi32, #tpu.memory_space<hbm>>
        %dma_start3A_80 = arith.constant 78 : i32
        %dma_start3A_81 = arith.constant 0 : i32
        %dma_start3A_82 = tpu.memref_slice %arg8[%dma_start3A_80, %dma_start3A_81] : memref<79x128xi32, #tpu.memory_space<vmem>> -> memref<1x128xi32, #tpu.memory_space<vmem>>
        %dma_start3A_83 = arith.constant 0 : i32
        %dma_start3A_84 = tpu.memref_slice %arg2[%add3A_75, %dma_start3A_83] : memref<2500x128xi32, #tpu.memory_space<hbm>> -> memref<1x128xi32, #tpu.memory_space<hbm>>
        tpu.enqueue_dma source(%dma_start3A_84 : memref<1x128xi32, #tpu.memory_space<hbm>>) target(%dma_start3A_82 : memref<1x128xi32, #tpu.memory_space<vmem>>) target_semaphore(%run_scoped3A : memref<!tpu.dma_semaphore, #tpu.memory_space<semaphore_mem>>)
        %dma_wait3A = arith.constant 78 : i32
        %dma_wait3A_85 = arith.constant 0 : i32
        %dma_wait3A_86 = tpu.memref_slice %arg8[%dma_wait3A, %dma_wait3A_85] : memref<79x128xi32, #tpu.memory_space<vmem>> -> memref<1x128xi32, #tpu.memory_space<vmem>>
        %dma_wait3A_87 = arith.constant 0 : i32
        %dma_wait3A_88 = tpu.memref_slice %arg2[%add3A_75, %dma_wait3A_87] : memref<2500x128xi32, #tpu.memory_space<hbm>> -> memref<1x128xi32, #tpu.memory_space<hbm>>
        %dma_wait3A_89 = arith.constant 78 : i32
        %dma_wait3A_90 = arith.constant 0 : i32
        %dma_wait3A_91 = tpu.memref_slice %arg8[%dma_wait3A_89, %dma_wait3A_90] : memref<79x128xi32, #tpu.memory_space<vmem>> -> memref<1x128xi32, #tpu.memory_space<vmem>>
        %dma_wait3A_92 = arith.constant 0 : i32
        %dma_wait3A_93 = tpu.memref_slice %arg2[%add3A_75, %dma_wait3A_92] : memref<2500x128xi32, #tpu.memory_space<hbm>> -> memref<1x128xi32, #tpu.memory_space<hbm>>
        tpu.wait_dma2 semaphore(%run_scoped3A : memref<!tpu.dma_semaphore, #tpu.memory_space<semaphore_mem>>) src(%dma_wait3A_93 : memref<1x128xi32, #tpu.memory_space<hbm>>) dst(%dma_wait3A_91 : memref<1x128xi32, #tpu.memory_space<vmem>>)
        tpu.yield
      }) : () -> ()
    } else {
    }
    %barrier3A = arith.constant 0 : index
    tpu.barrier barrier_id(%barrier3A)
    %jit3A = arith.constant 8 : i32
    %div3A = arith.divsi %add3A_20, %jit3A : i32
    %sign3A = arith.constant 0 : i32
    %sign3A_26 = arith.cmpi sgt, %add3A_20, %sign3A : i32
    %sign3A_27 = arith.extui %sign3A_26 : i1 to i32
    %sign3A_28 = arith.constant 0 : i32
    %sign3A_29 = arith.cmpi slt, %add3A_20, %sign3A_28 : i32
    %sign3A_30 = arith.extui %sign3A_29 : i1 to i32
    %sign3A_31 = arith.subi %sign3A_27, %sign3A_30 : i32
    %sign3A_32 = arith.constant 0 : i32
    %sign3A_33 = arith.cmpi sgt, %jit3A, %sign3A_32 : i32
    %sign3A_34 = arith.extui %sign3A_33 : i1 to i32
    %sign3A_35 = arith.constant 0 : i32
    %sign3A_36 = arith.cmpi slt, %jit3A, %sign3A_35 : i32
    %sign3A_37 = arith.extui %sign3A_36 : i1 to i32
    %sign3A_38 = arith.subi %sign3A_34, %sign3A_37 : i32
    %ne3A = arith.cmpi ne, %sign3A_31, %sign3A_38 : i32
    %rem3A = arith.remsi %add3A_20, %jit3A : i32
    %ne3A_39 = arith.constant 0 : i32
    %ne3A_40 = arith.cmpi ne, %rem3A, %ne3A_39 : i32
    %and3A = arith.andi %ne3A, %ne3A_40 : i1
    %sub3A = arith.constant 1 : i32
    %sub3A_41 = arith.subi %div3A, %sub3A : i32
    %select_n3A = arith.select %and3A, %sub3A_41, %div3A : i32
    %scan3A = arith.constant 0 : i32
    %scan3A_42 = arith.constant 0 : i32
    %scan3A_43 = arith.constant 10 : i32
    %scan3A_44 = arith.addi %scan3A_42, %scan3A_43 : i32
    %scan3A_45 = arith.constant 1 : i32
    scf.for %scan3A_74 = %scan3A_42 to %scan3A_44 step %scan3A_45  : i32 {
      %lt3A_75 = arith.cmpi slt, %scan3A_74, %select_n3A : i32
      %convert_element_type3A_76 = arith.extui %lt3A_75 : i1 to i32
      %cond3A_77 = arith.constant 0 : i32
      %cond3A_78 = arith.cmpi ne, %convert_element_type3A_76, %cond3A_77 : i32
      scf.if %cond3A_78 {
        %mul3A_79 = arith.constant 8 : i32
        %mul3A_80 = arith.muli %scan3A_74, %mul3A_79 : i32
        %add3A_81 = arith.addi %add3A_16, %mul3A_80 : i32
        %mul3A_82 = arith.constant 128 : i32
        %mul3A_83 = arith.muli %add3A_81, %mul3A_82 : i32
        %multiple_of3A_84 = tpu.assume_multiple %mul3A_83, 128 : i32
        "tpu.region"() ({
          %run_scoped3A = tpu.sem_alloc : memref<!tpu.dma_semaphore, #tpu.memory_space<semaphore_mem>>
          %dma_start3A = arith.constant 0 : i32
          %dma_start3A_117 = tpu.memref_slice %arg3[%multiple_of3A_84, %dma_start3A] : memref<320000x16xf32, #tpu.memory_space<hbm>> -> memref<1024x16xf32, #tpu.memory_space<hbm>>
          %dma_start3A_118 = arith.constant 0 : i32
          %dma_start3A_119 = tpu.memref_slice %arg3[%multiple_of3A_84, %dma_start3A_118] : memref<320000x16xf32, #tpu.memory_space<hbm>> -> memref<1024x16xf32, #tpu.memory_space<hbm>>
          tpu.enqueue_dma source(%dma_start3A_119 : memref<1024x16xf32, #tpu.memory_space<hbm>>) target(%arg9 : memref<1024x16xf32, #tpu.memory_space<vmem>>) target_semaphore(%run_scoped3A : memref<!tpu.dma_semaphore, #tpu.memory_space<semaphore_mem>>)
          %dma_wait3A = arith.constant 0 : i32
          %dma_wait3A_120 = tpu.memref_slice %arg3[%multiple_of3A_84, %dma_wait3A] : memref<320000x16xf32, #tpu.memory_space<hbm>> -> memref<1024x16xf32, #tpu.memory_space<hbm>>
          %dma_wait3A_121 = arith.constant 0 : i32
          %dma_wait3A_122 = tpu.memref_slice %arg3[%multiple_of3A_84, %dma_wait3A_121] : memref<320000x16xf32, #tpu.memory_space<hbm>> -> memref<1024x16xf32, #tpu.memory_space<hbm>>
          tpu.wait_dma2 semaphore(%run_scoped3A : memref<!tpu.dma_semaphore, #tpu.memory_space<semaphore_mem>>) src(%dma_wait3A_122 : memref<1024x16xf32, #tpu.memory_space<hbm>>) dst(%arg9 : memref<1024x16xf32, #tpu.memory_space<vmem>>)
          tpu.yield
        }) : () -> ()
        %mul3A_85 = arith.constant 8 : i32
        %mul3A_86 = arith.muli %scan3A_74, %mul3A_85 : i32
        %add3A_87 = arith.constant 0 : i32
        %add3A_88 = arith.addi %mul3A_86, %add3A_87 : i32
        "tpu.region"() ({
          %run_scoped3A = tpu.sem_alloc : memref<!tpu.dma_semaphore, #tpu.memory_space<semaphore_mem>>
          %dma_start3A = arith.constant 0 : i32
          %dma_start3A_117 = arith.constant 0 : i32
          %dma_start3A_118 = tpu.memref_slice %arg9[%dma_start3A, %dma_start3A_117] : memref<1024x16xf32, #tpu.memory_space<vmem>> -> memref<128x16xf32, #tpu.memory_space<vmem>>
          %dma_start3A_119 = arith.constant 0 : i32
          %dma_start3A_120 = tpu.memref_slice %arg8[%add3A_88, %dma_start3A_119] : memref<79x128xi32, #tpu.memory_space<vmem>> -> memref<1x128xi32, #tpu.memory_space<vmem>>
          %dma_start3A_121 = tpu.memref_squeeze %dma_start3A_120 : memref<1x128xi32, #tpu.memory_space<vmem>> -> memref<128xi32, #tpu.memory_space<vmem>>
          %dma_start3A_122 = arith.constant 0 : i32
          %dma_start3A_123 = arith.constant 0 : i32
          %dma_start3A_124 = tpu.memref_slice %arg11[%dma_start3A_122, %dma_start3A_123] : memref<10000x16xf32, #tpu.memory_space<vmem_shared>> -> memref<10000x16xf32, #tpu.memory_space<vmem_shared>>
          tpu.enqueue_indirect_dma source(%dma_start3A_118 : memref<128x16xf32, #tpu.memory_space<vmem>>) target(%dma_start3A_124 : memref<10000x16xf32, #tpu.memory_space<vmem_shared>>) offsets(%dma_start3A_121 : memref<128xi32, #tpu.memory_space<vmem>>) semaphore(%run_scoped3A : memref<!tpu.dma_semaphore, #tpu.memory_space<semaphore_mem>>) {add = true}
          %dma_wait3A = arith.constant 0 : i32
          %dma_wait3A_125 = arith.constant 0 : i32
          %dma_wait3A_126 = tpu.memref_slice %arg9[%dma_wait3A, %dma_wait3A_125] : memref<1024x16xf32, #tpu.memory_space<vmem>> -> memref<128x16xf32, #tpu.memory_space<vmem>>
          %dma_wait3A_127 = arith.constant 0 : i32
          %dma_wait3A_128 = tpu.memref_slice %arg8[%add3A_88, %dma_wait3A_127] : memref<79x128xi32, #tpu.memory_space<vmem>> -> memref<1x128xi32, #tpu.memory_space<vmem>>
          %dma_wait3A_129 = tpu.memref_squeeze %dma_wait3A_128 : memref<1x128xi32, #tpu.memory_space<vmem>> -> memref<128xi32, #tpu.memory_space<vmem>>
          %dma_wait3A_130 = arith.constant 0 : i32
          %dma_wait3A_131 = arith.constant 0 : i32
          %dma_wait3A_132 = tpu.memref_slice %arg11[%dma_wait3A_130, %dma_wait3A_131] : memref<10000x16xf32, #tpu.memory_space<vmem_shared>> -> memref<10000x16xf32, #tpu.memory_space<vmem_shared>>
          tpu.wait_indirect_dma semaphore(%run_scoped3A : memref<!tpu.dma_semaphore, #tpu.memory_space<semaphore_mem>>) src(%dma_wait3A_126 : memref<128x16xf32, #tpu.memory_space<vmem>>) dst(%dma_wait3A_132 : memref<10000x16xf32, #tpu.memory_space<vmem_shared>>)
          tpu.yield
        }) : () -> ()
        "tpu.region"() ({
          %run_scoped3A = tpu.sem_alloc : memref<!tpu.dma_semaphore, #tpu.memory_space<semaphore_mem>>
          %dma_start3A = arith.constant 0 : i32
          %dma_start3A_117 = tpu.memref_slice %arg8[%add3A_88, %dma_start3A] : memref<79x128xi32, #tpu.memory_space<vmem>> -> memref<1x128xi32, #tpu.memory_space<vmem>>
          %dma_start3A_118 = tpu.memref_squeeze %dma_start3A_117 : memref<1x128xi32, #tpu.memory_space<vmem>> -> memref<128xi32, #tpu.memory_space<vmem>>
          %dma_start3A_119 = arith.constant 0 : i32
          %dma_start3A_120 = arith.constant 0 : i32
          %dma_start3A_121 = tpu.memref_slice %arg12[%dma_start3A_119, %dma_start3A_120] : memref<10000x16xf32, #tpu.memory_space<vmem_shared>> -> memref<10000x16xf32, #tpu.memory_space<vmem_shared>>
          tpu.enqueue_indirect_dma source(%arg10 : memref<128x16xf32, #tpu.memory_space<vmem>>) target(%dma_start3A_121 : memref<10000x16xf32, #tpu.memory_space<vmem_shared>>) offsets(%dma_start3A_118 : memref<128xi32, #tpu.memory_space<vmem>>) semaphore(%run_scoped3A : memref<!tpu.dma_semaphore, #tpu.memory_space<semaphore_mem>>) {add = true}
          %dma_wait3A = arith.constant 0 : i32
          %dma_wait3A_122 = tpu.memref_slice %arg8[%add3A_88, %dma_wait3A] : memref<79x128xi32, #tpu.memory_space<vmem>> -> memref<1x128xi32, #tpu.memory_space<vmem>>
          %dma_wait3A_123 = tpu.memref_squeeze %dma_wait3A_122 : memref<1x128xi32, #tpu.memory_space<vmem>> -> memref<128xi32, #tpu.memory_space<vmem>>
          %dma_wait3A_124 = arith.constant 0 : i32
          %dma_wait3A_125 = arith.constant 0 : i32
          %dma_wait3A_126 = tpu.memref_slice %arg12[%dma_wait3A_124, %dma_wait3A_125] : memref<10000x16xf32, #tpu.memory_space<vmem_shared>> -> memref<10000x16xf32, #tpu.memory_space<vmem_shared>>
          tpu.wait_indirect_dma semaphore(%run_scoped3A : memref<!tpu.dma_semaphore, #tpu.memory_space<semaphore_mem>>) src(%arg10 : memref<128x16xf32, #tpu.memory_space<vmem>>) dst(%dma_wait3A_126 : memref<10000x16xf32, #tpu.memory_space<vmem_shared>>)
          tpu.yield
        }) : () -> ()
        %mul3A_89 = arith.constant 8 : i32
        %mul3A_90 = arith.muli %scan3A_74, %mul3A_89 : i32
        %add3A_91 = arith.constant 1 : i32
        %add3A_92 = arith.addi %mul3A_90, %add3A_91 : i32
        "tpu.region"() ({
          %run_scoped3A = tpu.sem_alloc : memref<!tpu.dma_semaphore, #tpu.memory_space<semaphore_mem>>
          %dma_start3A = arith.constant 128 : i32
          %dma_start3A_117 = arith.constant 0 : i32
          %dma_start3A_118 = tpu.memref_slice %arg9[%dma_start3A, %dma_start3A_117] : memref<1024x16xf32, #tpu.memory_space<vmem>> -> memref<128x16xf32, #tpu.memory_space<vmem>>
          %dma_start3A_119 = arith.constant 0 : i32
          %dma_start3A_120 = tpu.memref_slice %arg8[%add3A_92, %dma_start3A_119] : memref<79x128xi32, #tpu.memory_space<vmem>> -> memref<1x128xi32, #tpu.memory_space<vmem>>
          %dma_start3A_121 = tpu.memref_squeeze %dma_start3A_120 : memref<1x128xi32, #tpu.memory_space<vmem>> -> memref<128xi32, #tpu.memory_space<vmem>>
          %dma_start3A_122 = arith.constant 0 : i32
          %dma_start3A_123 = arith.constant 0 : i32
          %dma_start3A_124 = tpu.memref_slice %arg11[%dma_start3A_122, %dma_start3A_123] : memref<10000x16xf32, #tpu.memory_space<vmem_shared>> -> memref<10000x16xf32, #tpu.memory_space<vmem_shared>>
          tpu.enqueue_indirect_dma source(%dma_start3A_118 : memref<128x16xf32, #tpu.memory_space<vmem>>) target(%dma_start3A_124 : memref<10000x16xf32, #tpu.memory_space<vmem_shared>>) offsets(%dma_start3A_121 : memref<128xi32, #tpu.memory_space<vmem>>) semaphore(%run_scoped3A : memref<!tpu.dma_semaphore, #tpu.memory_space<semaphore_mem>>) {add = true}
          %dma_wait3A = arith.constant 128 : i32
          %dma_wait3A_125 = arith.constant 0 : i32
          %dma_wait3A_126 = tpu.memref_slice %arg9[%dma_wait3A, %dma_wait3A_125] : memref<1024x16xf32, #tpu.memory_space<vmem>> -> memref<128x16xf32, #tpu.memory_space<vmem>>
          %dma_wait3A_127 = arith.constant 0 : i32
          %dma_wait3A_128 = tpu.memref_slice %arg8[%add3A_92, %dma_wait3A_127] : memref<79x128xi32, #tpu.memory_space<vmem>> -> memref<1x128xi32, #tpu.memory_space<vmem>>
          %dma_wait3A_129 = tpu.memref_squeeze %dma_wait3A_128 : memref<1x128xi32, #tpu.memory_space<vmem>> -> memref<128xi32, #tpu.memory_space<vmem>>
          %dma_wait3A_130 = arith.constant 0 : i32
          %dma_wait3A_131 = arith.constant 0 : i32
          %dma_wait3A_132 = tpu.memref_slice %arg11[%dma_wait3A_130, %dma_wait3A_131] : memref<10000x16xf32, #tpu.memory_space<vmem_shared>> -> memref<10000x16xf32, #tpu.memory_space<vmem_shared>>
          tpu.wait_indirect_dma semaphore(%run_scoped3A : memref<!tpu.dma_semaphore, #tpu.memory_space<semaphore_mem>>) src(%dma_wait3A_126 : memref<128x16xf32, #tpu.memory_space<vmem>>) dst(%dma_wait3A_132 : memref<10000x16xf32, #tpu.memory_space<vmem_shared>>)
          tpu.yield
        }) : () -> ()
        "tpu.region"() ({
          %run_scoped3A = tpu.sem_alloc : memref<!tpu.dma_semaphore, #tpu.memory_space<semaphore_mem>>
          %dma_start3A = arith.constant 0 : i32
          %dma_start3A_117 = tpu.memref_slice %arg8[%add3A_92, %dma_start3A] : memref<79x128xi32, #tpu.memory_space<vmem>> -> memref<1x128xi32, #tpu.memory_space<vmem>>
          %dma_start3A_118 = tpu.memref_squeeze %dma_start3A_117 : memref<1x128xi32, #tpu.memory_space<vmem>> -> memref<128xi32, #tpu.memory_space<vmem>>
          %dma_start3A_119 = arith.constant 0 : i32
          %dma_start3A_120 = arith.constant 0 : i32
          %dma_start3A_121 = tpu.memref_slice %arg12[%dma_start3A_119, %dma_start3A_120] : memref<10000x16xf32, #tpu.memory_space<vmem_shared>> -> memref<10000x16xf32, #tpu.memory_space<vmem_shared>>
          tpu.enqueue_indirect_dma source(%arg10 : memref<128x16xf32, #tpu.memory_space<vmem>>) target(%dma_start3A_121 : memref<10000x16xf32, #tpu.memory_space<vmem_shared>>) offsets(%dma_start3A_118 : memref<128xi32, #tpu.memory_space<vmem>>) semaphore(%run_scoped3A : memref<!tpu.dma_semaphore, #tpu.memory_space<semaphore_mem>>) {add = true}
          %dma_wait3A = arith.constant 0 : i32
          %dma_wait3A_122 = tpu.memref_slice %arg8[%add3A_92, %dma_wait3A] : memref<79x128xi32, #tpu.memory_space<vmem>> -> memref<1x128xi32, #tpu.memory_space<vmem>>
          %dma_wait3A_123 = tpu.memref_squeeze %dma_wait3A_122 : memref<1x128xi32, #tpu.memory_space<vmem>> -> memref<128xi32, #tpu.memory_space<vmem>>
          %dma_wait3A_124 = arith.constant 0 : i32
          %dma_wait3A_125 = arith.constant 0 : i32
          %dma_wait3A_126 = tpu.memref_slice %arg12[%dma_wait3A_124, %dma_wait3A_125] : memref<10000x16xf32, #tpu.memory_space<vmem_shared>> -> memref<10000x16xf32, #tpu.memory_space<vmem_shared>>
          tpu.wait_indirect_dma semaphore(%run_scoped3A : memref<!tpu.dma_semaphore, #tpu.memory_space<semaphore_mem>>) src(%arg10 : memref<128x16xf32, #tpu.memory_space<vmem>>) dst(%dma_wait3A_126 : memref<10000x16xf32, #tpu.memory_space<vmem_shared>>)
          tpu.yield
        }) : () -> ()
        %mul3A_93 = arith.constant 8 : i32
        %mul3A_94 = arith.muli %scan3A_74, %mul3A_93 : i32
        %add3A_95 = arith.constant 2 : i32
        %add3A_96 = arith.addi %mul3A_94, %add3A_95 : i32
        "tpu.region"() ({
          %run_scoped3A = tpu.sem_alloc : memref<!tpu.dma_semaphore, #tpu.memory_space<semaphore_mem>>
          %dma_start3A = arith.constant 256 : i32
          %dma_start3A_117 = arith.constant 0 : i32
          %dma_start3A_118 = tpu.memref_slice %arg9[%dma_start3A, %dma_start3A_117] : memref<1024x16xf32, #tpu.memory_space<vmem>> -> memref<128x16xf32, #tpu.memory_space<vmem>>
          %dma_start3A_119 = arith.constant 0 : i32
          %dma_start3A_120 = tpu.memref_slice %arg8[%add3A_96, %dma_start3A_119] : memref<79x128xi32, #tpu.memory_space<vmem>> -> memref<1x128xi32, #tpu.memory_space<vmem>>
          %dma_start3A_121 = tpu.memref_squeeze %dma_start3A_120 : memref<1x128xi32, #tpu.memory_space<vmem>> -> memref<128xi32, #tpu.memory_space<vmem>>
          %dma_start3A_122 = arith.constant 0 : i32
          %dma_start3A_123 = arith.constant 0 : i32
          %dma_start3A_124 = tpu.memref_slice %arg11[%dma_start3A_122, %dma_start3A_123] : memref<10000x16xf32, #tpu.memory_space<vmem_shared>> -> memref<10000x16xf32, #tpu.memory_space<vmem_shared>>
          tpu.enqueue_indirect_dma source(%dma_start3A_118 : memref<128x16xf32, #tpu.memory_space<vmem>>) target(%dma_start3A_124 : memref<10000x16xf32, #tpu.memory_space<vmem_shared>>) offsets(%dma_start3A_121 : memref<128xi32, #tpu.memory_space<vmem>>) semaphore(%run_scoped3A : memref<!tpu.dma_semaphore, #tpu.memory_space<semaphore_mem>>) {add = true}
          %dma_wait3A = arith.constant 256 : i32
          %dma_wait3A_125 = arith.constant 0 : i32
          %dma_wait3A_126 = tpu.memref_slice %arg9[%dma_wait3A, %dma_wait3A_125] : memref<1024x16xf32, #tpu.memory_space<vmem>> -> memref<128x16xf32, #tpu.memory_space<vmem>>
          %dma_wait3A_127 = arith.constant 0 : i32
          %dma_wait3A_128 = tpu.memref_slice %arg8[%add3A_96, %dma_wait3A_127] : memref<79x128xi32, #tpu.memory_space<vmem>> -> memref<1x128xi32, #tpu.memory_space<vmem>>
          %dma_wait3A_129 = tpu.memref_squeeze %dma_wait3A_128 : memref<1x128xi32, #tpu.memory_space<vmem>> -> memref<128xi32, #tpu.memory_space<vmem>>
          %dma_wait3A_130 = arith.constant 0 : i32
          %dma_wait3A_131 = arith.constant 0 : i32
          %dma_wait3A_132 = tpu.memref_slice %arg11[%dma_wait3A_130, %dma_wait3A_131] : memref<10000x16xf32, #tpu.memory_space<vmem_shared>> -> memref<10000x16xf32, #tpu.memory_space<vmem_shared>>
          tpu.wait_indirect_dma semaphore(%run_scoped3A : memref<!tpu.dma_semaphore, #tpu.memory_space<semaphore_mem>>) src(%dma_wait3A_126 : memref<128x16xf32, #tpu.memory_space<vmem>>) dst(%dma_wait3A_132 : memref<10000x16xf32, #tpu.memory_space<vmem_shared>>)
          tpu.yield
        }) : () -> ()
        "tpu.region"() ({
          %run_scoped3A = tpu.sem_alloc : memref<!tpu.dma_semaphore, #tpu.memory_space<semaphore_mem>>
          %dma_start3A = arith.constant 0 : i32
          %dma_start3A_117 = tpu.memref_slice %arg8[%add3A_96, %dma_start3A] : memref<79x128xi32, #tpu.memory_space<vmem>> -> memref<1x128xi32, #tpu.memory_space<vmem>>
          %dma_start3A_118 = tpu.memref_squeeze %dma_start3A_117 : memref<1x128xi32, #tpu.memory_space<vmem>> -> memref<128xi32, #tpu.memory_space<vmem>>
          %dma_start3A_119 = arith.constant 0 : i32
          %dma_start3A_120 = arith.constant 0 : i32
          %dma_start3A_121 = tpu.memref_slice %arg12[%dma_start3A_119, %dma_start3A_120] : memref<10000x16xf32, #tpu.memory_space<vmem_shared>> -> memref<10000x16xf32, #tpu.memory_space<vmem_shared>>
          tpu.enqueue_indirect_dma source(%arg10 : memref<128x16xf32, #tpu.memory_space<vmem>>) target(%dma_start3A_121 : memref<10000x16xf32, #tpu.memory_space<vmem_shared>>) offsets(%dma_start3A_118 : memref<128xi32, #tpu.memory_space<vmem>>) semaphore(%run_scoped3A : memref<!tpu.dma_semaphore, #tpu.memory_space<semaphore_mem>>) {add = true}
          %dma_wait3A = arith.constant 0 : i32
          %dma_wait3A_122 = tpu.memref_slice %arg8[%add3A_96, %dma_wait3A] : memref<79x128xi32, #tpu.memory_space<vmem>> -> memref<1x128xi32, #tpu.memory_space<vmem>>
          %dma_wait3A_123 = tpu.memref_squeeze %dma_wait3A_122 : memref<1x128xi32, #tpu.memory_space<vmem>> -> memref<128xi32, #tpu.memory_space<vmem>>
          %dma_wait3A_124 = arith.constant 0 : i32
          %dma_wait3A_125 = arith.constant 0 : i32
          %dma_wait3A_126 = tpu.memref_slice %arg12[%dma_wait3A_124, %dma_wait3A_125] : memref<10000x16xf32, #tpu.memory_space<vmem_shared>> -> memref<10000x16xf32, #tpu.memory_space<vmem_shared>>
          tpu.wait_indirect_dma semaphore(%run_scoped3A : memref<!tpu.dma_semaphore, #tpu.memory_space<semaphore_mem>>) src(%arg10 : memref<128x16xf32, #tpu.memory_space<vmem>>) dst(%dma_wait3A_126 : memref<10000x16xf32, #tpu.memory_space<vmem_shared>>)
          tpu.yield
        }) : () -> ()
        %mul3A_97 = arith.constant 8 : i32
        %mul3A_98 = arith.muli %scan3A_74, %mul3A_97 : i32
        %add3A_99 = arith.constant 3 : i32
        %add3A_100 = arith.addi %mul3A_98, %add3A_99 : i32
        "tpu.region"() ({
          %run_scoped3A = tpu.sem_alloc : memref<!tpu.dma_semaphore, #tpu.memory_space<semaphore_mem>>
          %dma_start3A = arith.constant 384 : i32
          %dma_start3A_117 = arith.constant 0 : i32
          %dma_start3A_118 = tpu.memref_slice %arg9[%dma_start3A, %dma_start3A_117] : memref<1024x16xf32, #tpu.memory_space<vmem>> -> memref<128x16xf32, #tpu.memory_space<vmem>>
          %dma_start3A_119 = arith.constant 0 : i32
          %dma_start3A_120 = tpu.memref_slice %arg8[%add3A_100, %dma_start3A_119] : memref<79x128xi32, #tpu.memory_space<vmem>> -> memref<1x128xi32, #tpu.memory_space<vmem>>
          %dma_start3A_121 = tpu.memref_squeeze %dma_start3A_120 : memref<1x128xi32, #tpu.memory_space<vmem>> -> memref<128xi32, #tpu.memory_space<vmem>>
          %dma_start3A_122 = arith.constant 0 : i32
          %dma_start3A_123 = arith.constant 0 : i32
          %dma_start3A_124 = tpu.memref_slice %arg11[%dma_start3A_122, %dma_start3A_123] : memref<10000x16xf32, #tpu.memory_space<vmem_shared>> -> memref<10000x16xf32, #tpu.memory_space<vmem_shared>>
          tpu.enqueue_indirect_dma source(%dma_start3A_118 : memref<128x16xf32, #tpu.memory_space<vmem>>) target(%dma_start3A_124 : memref<10000x16xf32, #tpu.memory_space<vmem_shared>>) offsets(%dma_start3A_121 : memref<128xi32, #tpu.memory_space<vmem>>) semaphore(%run_scoped3A : memref<!tpu.dma_semaphore, #tpu.memory_space<semaphore_mem>>) {add = true}
          %dma_wait3A = arith.constant 384 : i32
          %dma_wait3A_125 = arith.constant 0 : i32
          %dma_wait3A_126 = tpu.memref_slice %arg9[%dma_wait3A, %dma_wait3A_125] : memref<1024x16xf32, #tpu.memory_space<vmem>> -> memref<128x16xf32, #tpu.memory_space<vmem>>
          %dma_wait3A_127 = arith.constant 0 : i32
          %dma_wait3A_128 = tpu.memref_slice %arg8[%add3A_100, %dma_wait3A_127] : memref<79x128xi32, #tpu.memory_space<vmem>> -> memref<1x128xi32, #tpu.memory_space<vmem>>
          %dma_wait3A_129 = tpu.memref_squeeze %dma_wait3A_128 : memref<1x128xi32, #tpu.memory_space<vmem>> -> memref<128xi32, #tpu.memory_space<vmem>>
          %dma_wait3A_130 = arith.constant 0 : i32
          %dma_wait3A_131 = arith.constant 0 : i32
          %dma_wait3A_132 = tpu.memref_slice %arg11[%dma_wait3A_130, %dma_wait3A_131] : memref<10000x16xf32, #tpu.memory_space<vmem_shared>> -> memref<10000x16xf32, #tpu.memory_space<vmem_shared>>
          tpu.wait_indirect_dma semaphore(%run_scoped3A : memref<!tpu.dma_semaphore, #tpu.memory_space<semaphore_mem>>) src(%dma_wait3A_126 : memref<128x16xf32, #tpu.memory_space<vmem>>) dst(%dma_wait3A_132 : memref<10000x16xf32, #tpu.memory_space<vmem_shared>>)
          tpu.yield
        }) : () -> ()
        "tpu.region"() ({
          %run_scoped3A = tpu.sem_alloc : memref<!tpu.dma_semaphore, #tpu.memory_space<semaphore_mem>>
          %dma_start3A = arith.constant 0 : i32
          %dma_start3A_117 = tpu.memref_slice %arg8[%add3A_100, %dma_start3A] : memref<79x128xi32, #tpu.memory_space<vmem>> -> memref<1x128xi32, #tpu.memory_space<vmem>>
          %dma_start3A_118 = tpu.memref_squeeze %dma_start3A_117 : memref<1x128xi32, #tpu.memory_space<vmem>> -> memref<128xi32, #tpu.memory_space<vmem>>
          %dma_start3A_119 = arith.constant 0 : i32
          %dma_start3A_120 = arith.constant 0 : i32
          %dma_start3A_121 = tpu.memref_slice %arg12[%dma_start3A_119, %dma_start3A_120] : memref<10000x16xf32, #tpu.memory_space<vmem_shared>> -> memref<10000x16xf32, #tpu.memory_space<vmem_shared>>
          tpu.enqueue_indirect_dma source(%arg10 : memref<128x16xf32, #tpu.memory_space<vmem>>) target(%dma_start3A_121 : memref<10000x16xf32, #tpu.memory_space<vmem_shared>>) offsets(%dma_start3A_118 : memref<128xi32, #tpu.memory_space<vmem>>) semaphore(%run_scoped3A : memref<!tpu.dma_semaphore, #tpu.memory_space<semaphore_mem>>) {add = true}
          %dma_wait3A = arith.constant 0 : i32
          %dma_wait3A_122 = tpu.memref_slice %arg8[%add3A_100, %dma_wait3A] : memref<79x128xi32, #tpu.memory_space<vmem>> -> memref<1x128xi32, #tpu.memory_space<vmem>>
          %dma_wait3A_123 = tpu.memref_squeeze %dma_wait3A_122 : memref<1x128xi32, #tpu.memory_space<vmem>> -> memref<128xi32, #tpu.memory_space<vmem>>
          %dma_wait3A_124 = arith.constant 0 : i32
          %dma_wait3A_125 = arith.constant 0 : i32
          %dma_wait3A_126 = tpu.memref_slice %arg12[%dma_wait3A_124, %dma_wait3A_125] : memref<10000x16xf32, #tpu.memory_space<vmem_shared>> -> memref<10000x16xf32, #tpu.memory_space<vmem_shared>>
          tpu.wait_indirect_dma semaphore(%run_scoped3A : memref<!tpu.dma_semaphore, #tpu.memory_space<semaphore_mem>>) src(%arg10 : memref<128x16xf32, #tpu.memory_space<vmem>>) dst(%dma_wait3A_126 : memref<10000x16xf32, #tpu.memory_space<vmem_shared>>)
          tpu.yield
        }) : () -> ()
        %mul3A_101 = arith.constant 8 : i32
        %mul3A_102 = arith.muli %scan3A_74, %mul3A_101 : i32
        %add3A_103 = arith.constant 4 : i32
        %add3A_104 = arith.addi %mul3A_102, %add3A_103 : i32
        "tpu.region"() ({
          %run_scoped3A = tpu.sem_alloc : memref<!tpu.dma_semaphore, #tpu.memory_space<semaphore_mem>>
          %dma_start3A = arith.constant 512 : i32
          %dma_start3A_117 = arith.constant 0 : i32
          %dma_start3A_118 = tpu.memref_slice %arg9[%dma_start3A, %dma_start3A_117] : memref<1024x16xf32, #tpu.memory_space<vmem>> -> memref<128x16xf32, #tpu.memory_space<vmem>>
          %dma_start3A_119 = arith.constant 0 : i32
          %dma_start3A_120 = tpu.memref_slice %arg8[%add3A_104, %dma_start3A_119] : memref<79x128xi32, #tpu.memory_space<vmem>> -> memref<1x128xi32, #tpu.memory_space<vmem>>
          %dma_start3A_121 = tpu.memref_squeeze %dma_start3A_120 : memref<1x128xi32, #tpu.memory_space<vmem>> -> memref<128xi32, #tpu.memory_space<vmem>>
          %dma_start3A_122 = arith.constant 0 : i32
          %dma_start3A_123 = arith.constant 0 : i32
          %dma_start3A_124 = tpu.memref_slice %arg11[%dma_start3A_122, %dma_start3A_123] : memref<10000x16xf32, #tpu.memory_space<vmem_shared>> -> memref<10000x16xf32, #tpu.memory_space<vmem_shared>>
          tpu.enqueue_indirect_dma source(%dma_start3A_118 : memref<128x16xf32, #tpu.memory_space<vmem>>) target(%dma_start3A_124 : memref<10000x16xf32, #tpu.memory_space<vmem_shared>>) offsets(%dma_start3A_121 : memref<128xi32, #tpu.memory_space<vmem>>) semaphore(%run_scoped3A : memref<!tpu.dma_semaphore, #tpu.memory_space<semaphore_mem>>) {add = true}
          %dma_wait3A = arith.constant 512 : i32
          %dma_wait3A_125 = arith.constant 0 : i32
          %dma_wait3A_126 = tpu.memref_slice %arg9[%dma_wait3A, %dma_wait3A_125] : memref<1024x16xf32, #tpu.memory_space<vmem>> -> memref<128x16xf32, #tpu.memory_space<vmem>>
          %dma_wait3A_127 = arith.constant 0 : i32
          %dma_wait3A_128 = tpu.memref_slice %arg8[%add3A_104, %dma_wait3A_127] : memref<79x128xi32, #tpu.memory_space<vmem>> -> memref<1x128xi32, #tpu.memory_space<vmem>>
          %dma_wait3A_129 = tpu.memref_squeeze %dma_wait3A_128 : memref<1x128xi32, #tpu.memory_space<vmem>> -> memref<128xi32, #tpu.memory_space<vmem>>
          %dma_wait3A_130 = arith.constant 0 : i32
          %dma_wait3A_131 = arith.constant 0 : i32
          %dma_wait3A_132 = tpu.memref_slice %arg11[%dma_wait3A_130, %dma_wait3A_131] : memref<10000x16xf32, #tpu.memory_space<vmem_shared>> -> memref<10000x16xf32, #tpu.memory_space<vmem_shared>>
          tpu.wait_indirect_dma semaphore(%run_scoped3A : memref<!tpu.dma_semaphore, #tpu.memory_space<semaphore_mem>>) src(%dma_wait3A_126 : memref<128x16xf32, #tpu.memory_space<vmem>>) dst(%dma_wait3A_132 : memref<10000x16xf32, #tpu.memory_space<vmem_shared>>)
          tpu.yield
        }) : () -> ()
        "tpu.region"() ({
          %run_scoped3A = tpu.sem_alloc : memref<!tpu.dma_semaphore, #tpu.memory_space<semaphore_mem>>
          %dma_start3A = arith.constant 0 : i32
          %dma_start3A_117 = tpu.memref_slice %arg8[%add3A_104, %dma_start3A] : memref<79x128xi32, #tpu.memory_space<vmem>> -> memref<1x128xi32, #tpu.memory_space<vmem>>
          %dma_start3A_118 = tpu.memref_squeeze %dma_start3A_117 : memref<1x128xi32, #tpu.memory_space<vmem>> -> memref<128xi32, #tpu.memory_space<vmem>>
          %dma_start3A_119 = arith.constant 0 : i32
          %dma_start3A_120 = arith.constant 0 : i32
          %dma_start3A_121 = tpu.memref_slice %arg12[%dma_start3A_119, %dma_start3A_120] : memref<10000x16xf32, #tpu.memory_space<vmem_shared>> -> memref<10000x16xf32, #tpu.memory_space<vmem_shared>>
          tpu.enqueue_indirect_dma source(%arg10 : memref<128x16xf32, #tpu.memory_space<vmem>>) target(%dma_start3A_121 : memref<10000x16xf32, #tpu.memory_space<vmem_shared>>) offsets(%dma_start3A_118 : memref<128xi32, #tpu.memory_space<vmem>>) semaphore(%run_scoped3A : memref<!tpu.dma_semaphore, #tpu.memory_space<semaphore_mem>>) {add = true}
          %dma_wait3A = arith.constant 0 : i32
          %dma_wait3A_122 = tpu.memref_slice %arg8[%add3A_104, %dma_wait3A] : memref<79x128xi32, #tpu.memory_space<vmem>> -> memref<1x128xi32, #tpu.memory_space<vmem>>
          %dma_wait3A_123 = tpu.memref_squeeze %dma_wait3A_122 : memref<1x128xi32, #tpu.memory_space<vmem>> -> memref<128xi32, #tpu.memory_space<vmem>>
          %dma_wait3A_124 = arith.constant 0 : i32
          %dma_wait3A_125 = arith.constant 0 : i32
          %dma_wait3A_126 = tpu.memref_slice %arg12[%dma_wait3A_124, %dma_wait3A_125] : memref<10000x16xf32, #tpu.memory_space<vmem_shared>> -> memref<10000x16xf32, #tpu.memory_space<vmem_shared>>
          tpu.wait_indirect_dma semaphore(%run_scoped3A : memref<!tpu.dma_semaphore, #tpu.memory_space<semaphore_mem>>) src(%arg10 : memref<128x16xf32, #tpu.memory_space<vmem>>) dst(%dma_wait3A_126 : memref<10000x16xf32, #tpu.memory_space<vmem_shared>>)
          tpu.yield
        }) : () -> ()
        %mul3A_105 = arith.constant 8 : i32
        %mul3A_106 = arith.muli %scan3A_74, %mul3A_105 : i32
        %add3A_107 = arith.constant 5 : i32
        %add3A_108 = arith.addi %mul3A_106, %add3A_107 : i32
        "tpu.region"() ({
          %run_scoped3A = tpu.sem_alloc : memref<!tpu.dma_semaphore, #tpu.memory_space<semaphore_mem>>
          %dma_start3A = arith.constant 640 : i32
          %dma_start3A_117 = arith.constant 0 : i32
          %dma_start3A_118 = tpu.memref_slice %arg9[%dma_start3A, %dma_start3A_117] : memref<1024x16xf32, #tpu.memory_space<vmem>> -> memref<128x16xf32, #tpu.memory_space<vmem>>
          %dma_start3A_119 = arith.constant 0 : i32
          %dma_start3A_120 = tpu.memref_slice %arg8[%add3A_108, %dma_start3A_119] : memref<79x128xi32, #tpu.memory_space<vmem>> -> memref<1x128xi32, #tpu.memory_space<vmem>>
          %dma_start3A_121 = tpu.memref_squeeze %dma_start3A_120 : memref<1x128xi32, #tpu.memory_space<vmem>> -> memref<128xi32, #tpu.memory_space<vmem>>
          %dma_start3A_122 = arith.constant 0 : i32
          %dma_start3A_123 = arith.constant 0 : i32
          %dma_start3A_124 = tpu.memref_slice %arg11[%dma_start3A_122, %dma_start3A_123] : memref<10000x16xf32, #tpu.memory_space<vmem_shared>> -> memref<10000x16xf32, #tpu.memory_space<vmem_shared>>
          tpu.enqueue_indirect_dma source(%dma_start3A_118 : memref<128x16xf32, #tpu.memory_space<vmem>>) target(%dma_start3A_124 : memref<10000x16xf32, #tpu.memory_space<vmem_shared>>) offsets(%dma_start3A_121 : memref<128xi32, #tpu.memory_space<vmem>>) semaphore(%run_scoped3A : memref<!tpu.dma_semaphore, #tpu.memory_space<semaphore_mem>>) {add = true}
          %dma_wait3A = arith.constant 640 : i32
          %dma_wait3A_125 = arith.constant 0 : i32
          %dma_wait3A_126 = tpu.memref_slice %arg9[%dma_wait3A, %dma_wait3A_125] : memref<1024x16xf32, #tpu.memory_space<vmem>> -> memref<128x16xf32, #tpu.memory_space<vmem>>
          %dma_wait3A_127 = arith.constant 0 : i32
          %dma_wait3A_128 = tpu.memref_slice %arg8[%add3A_108, %dma_wait3A_127] : memref<79x128xi32, #tpu.memory_space<vmem>> -> memref<1x128xi32, #tpu.memory_space<vmem>>
          %dma_wait3A_129 = tpu.memref_squeeze %dma_wait3A_128 : memref<1x128xi32, #tpu.memory_space<vmem>> -> memref<128xi32, #tpu.memory_space<vmem>>
          %dma_wait3A_130 = arith.constant 0 : i32
          %dma_wait3A_131 = arith.constant 0 : i32
          %dma_wait3A_132 = tpu.memref_slice %arg11[%dma_wait3A_130, %dma_wait3A_131] : memref<10000x16xf32, #tpu.memory_space<vmem_shared>> -> memref<10000x16xf32, #tpu.memory_space<vmem_shared>>
          tpu.wait_indirect_dma semaphore(%run_scoped3A : memref<!tpu.dma_semaphore, #tpu.memory_space<semaphore_mem>>) src(%dma_wait3A_126 : memref<128x16xf32, #tpu.memory_space<vmem>>) dst(%dma_wait3A_132 : memref<10000x16xf32, #tpu.memory_space<vmem_shared>>)
          tpu.yield
        }) : () -> ()
        "tpu.region"() ({
          %run_scoped3A = tpu.sem_alloc : memref<!tpu.dma_semaphore, #tpu.memory_space<semaphore_mem>>
          %dma_start3A = arith.constant 0 : i32
          %dma_start3A_117 = tpu.memref_slice %arg8[%add3A_108, %dma_start3A] : memref<79x128xi32, #tpu.memory_space<vmem>> -> memref<1x128xi32, #tpu.memory_space<vmem>>
          %dma_start3A_118 = tpu.memref_squeeze %dma_start3A_117 : memref<1x128xi32, #tpu.memory_space<vmem>> -> memref<128xi32, #tpu.memory_space<vmem>>
          %dma_start3A_119 = arith.constant 0 : i32
          %dma_start3A_120 = arith.constant 0 : i32
          %dma_start3A_121 = tpu.memref_slice %arg12[%dma_start3A_119, %dma_start3A_120] : memref<10000x16xf32, #tpu.memory_space<vmem_shared>> -> memref<10000x16xf32, #tpu.memory_space<vmem_shared>>
          tpu.enqueue_indirect_dma source(%arg10 : memref<128x16xf32, #tpu.memory_space<vmem>>) target(%dma_start3A_121 : memref<10000x16xf32, #tpu.memory_space<vmem_shared>>) offsets(%dma_start3A_118 : memref<128xi32, #tpu.memory_space<vmem>>) semaphore(%run_scoped3A : memref<!tpu.dma_semaphore, #tpu.memory_space<semaphore_mem>>) {add = true}
          %dma_wait3A = arith.constant 0 : i32
          %dma_wait3A_122 = tpu.memref_slice %arg8[%add3A_108, %dma_wait3A] : memref<79x128xi32, #tpu.memory_space<vmem>> -> memref<1x128xi32, #tpu.memory_space<vmem>>
          %dma_wait3A_123 = tpu.memref_squeeze %dma_wait3A_122 : memref<1x128xi32, #tpu.memory_space<vmem>> -> memref<128xi32, #tpu.memory_space<vmem>>
          %dma_wait3A_124 = arith.constant 0 : i32
          %dma_wait3A_125 = arith.constant 0 : i32
          %dma_wait3A_126 = tpu.memref_slice %arg12[%dma_wait3A_124, %dma_wait3A_125] : memref<10000x16xf32, #tpu.memory_space<vmem_shared>> -> memref<10000x16xf32, #tpu.memory_space<vmem_shared>>
          tpu.wait_indirect_dma semaphore(%run_scoped3A : memref<!tpu.dma_semaphore, #tpu.memory_space<semaphore_mem>>) src(%arg10 : memref<128x16xf32, #tpu.memory_space<vmem>>) dst(%dma_wait3A_126 : memref<10000x16xf32, #tpu.memory_space<vmem_shared>>)
          tpu.yield
        }) : () -> ()
        %mul3A_109 = arith.constant 8 : i32
        %mul3A_110 = arith.muli %scan3A_74, %mul3A_109 : i32
        %add3A_111 = arith.constant 6 : i32
        %add3A_112 = arith.addi %mul3A_110, %add3A_111 : i32
        "tpu.region"() ({
          %run_scoped3A = tpu.sem_alloc : memref<!tpu.dma_semaphore, #tpu.memory_space<semaphore_mem>>
          %dma_start3A = arith.constant 768 : i32
          %dma_start3A_117 = arith.constant 0 : i32
          %dma_start3A_118 = tpu.memref_slice %arg9[%dma_start3A, %dma_start3A_117] : memref<1024x16xf32, #tpu.memory_space<vmem>> -> memref<128x16xf32, #tpu.memory_space<vmem>>
          %dma_start3A_119 = arith.constant 0 : i32
          %dma_start3A_120 = tpu.memref_slice %arg8[%add3A_112, %dma_start3A_119] : memref<79x128xi32, #tpu.memory_space<vmem>> -> memref<1x128xi32, #tpu.memory_space<vmem>>
          %dma_start3A_121 = tpu.memref_squeeze %dma_start3A_120 : memref<1x128xi32, #tpu.memory_space<vmem>> -> memref<128xi32, #tpu.memory_space<vmem>>
          %dma_start3A_122 = arith.constant 0 : i32
          %dma_start3A_123 = arith.constant 0 : i32
          %dma_start3A_124 = tpu.memref_slice %arg11[%dma_start3A_122, %dma_start3A_123] : memref<10000x16xf32, #tpu.memory_space<vmem_shared>> -> memref<10000x16xf32, #tpu.memory_space<vmem_shared>>
          tpu.enqueue_indirect_dma source(%dma_start3A_118 : memref<128x16xf32, #tpu.memory_space<vmem>>) target(%dma_start3A_124 : memref<10000x16xf32, #tpu.memory_space<vmem_shared>>) offsets(%dma_start3A_121 : memref<128xi32, #tpu.memory_space<vmem>>) semaphore(%run_scoped3A : memref<!tpu.dma_semaphore, #tpu.memory_space<semaphore_mem>>) {add = true}
          %dma_wait3A = arith.constant 768 : i32
          %dma_wait3A_125 = arith.constant 0 : i32
          %dma_wait3A_126 = tpu.memref_slice %arg9[%dma_wait3A, %dma_wait3A_125] : memref<1024x16xf32, #tpu.memory_space<vmem>> -> memref<128x16xf32, #tpu.memory_space<vmem>>
          %dma_wait3A_127 = arith.constant 0 : i32
          %dma_wait3A_128 = tpu.memref_slice %arg8[%add3A_112, %dma_wait3A_127] : memref<79x128xi32, #tpu.memory_space<vmem>> -> memref<1x128xi32, #tpu.memory_space<vmem>>
          %dma_wait3A_129 = tpu.memref_squeeze %dma_wait3A_128 : memref<1x128xi32, #tpu.memory_space<vmem>> -> memref<128xi32, #tpu.memory_space<vmem>>
          %dma_wait3A_130 = arith.constant 0 : i32
          %dma_wait3A_131 = arith.constant 0 : i32
          %dma_wait3A_132 = tpu.memref_slice %arg11[%dma_wait3A_130, %dma_wait3A_131] : memref<10000x16xf32, #tpu.memory_space<vmem_shared>> -> memref<10000x16xf32, #tpu.memory_space<vmem_shared>>
          tpu.wait_indirect_dma semaphore(%run_scoped3A : memref<!tpu.dma_semaphore, #tpu.memory_space<semaphore_mem>>) src(%dma_wait3A_126 : memref<128x16xf32, #tpu.memory_space<vmem>>) dst(%dma_wait3A_132 : memref<10000x16xf32, #tpu.memory_space<vmem_shared>>)
          tpu.yield
        }) : () -> ()
        "tpu.region"() ({
          %run_scoped3A = tpu.sem_alloc : memref<!tpu.dma_semaphore, #tpu.memory_space<semaphore_mem>>
          %dma_start3A = arith.constant 0 : i32
          %dma_start3A_117 = tpu.memref_slice %arg8[%add3A_112, %dma_start3A] : memref<79x128xi32, #tpu.memory_space<vmem>> -> memref<1x128xi32, #tpu.memory_space<vmem>>
          %dma_start3A_118 = tpu.memref_squeeze %dma_start3A_117 : memref<1x128xi32, #tpu.memory_space<vmem>> -> memref<128xi32, #tpu.memory_space<vmem>>
          %dma_start3A_119 = arith.constant 0 : i32
          %dma_start3A_120 = arith.constant 0 : i32
          %dma_start3A_121 = tpu.memref_slice %arg12[%dma_start3A_119, %dma_start3A_120] : memref<10000x16xf32, #tpu.memory_space<vmem_shared>> -> memref<10000x16xf32, #tpu.memory_space<vmem_shared>>
          tpu.enqueue_indirect_dma source(%arg10 : memref<128x16xf32, #tpu.memory_space<vmem>>) target(%dma_start3A_121 : memref<10000x16xf32, #tpu.memory_space<vmem_shared>>) offsets(%dma_start3A_118 : memref<128xi32, #tpu.memory_space<vmem>>) semaphore(%run_scoped3A : memref<!tpu.dma_semaphore, #tpu.memory_space<semaphore_mem>>) {add = true}
          %dma_wait3A = arith.constant 0 : i32
          %dma_wait3A_122 = tpu.memref_slice %arg8[%add3A_112, %dma_wait3A] : memref<79x128xi32, #tpu.memory_space<vmem>> -> memref<1x128xi32, #tpu.memory_space<vmem>>
          %dma_wait3A_123 = tpu.memref_squeeze %dma_wait3A_122 : memref<1x128xi32, #tpu.memory_space<vmem>> -> memref<128xi32, #tpu.memory_space<vmem>>
          %dma_wait3A_124 = arith.constant 0 : i32
          %dma_wait3A_125 = arith.constant 0 : i32
          %dma_wait3A_126 = tpu.memref_slice %arg12[%dma_wait3A_124, %dma_wait3A_125] : memref<10000x16xf32, #tpu.memory_space<vmem_shared>> -> memref<10000x16xf32, #tpu.memory_space<vmem_shared>>
          tpu.wait_indirect_dma semaphore(%run_scoped3A : memref<!tpu.dma_semaphore, #tpu.memory_space<semaphore_mem>>) src(%arg10 : memref<128x16xf32, #tpu.memory_space<vmem>>) dst(%dma_wait3A_126 : memref<10000x16xf32, #tpu.memory_space<vmem_shared>>)
          tpu.yield
        }) : () -> ()
        %mul3A_113 = arith.constant 8 : i32
        %mul3A_114 = arith.muli %scan3A_74, %mul3A_113 : i32
        %add3A_115 = arith.constant 7 : i32
        %add3A_116 = arith.addi %mul3A_114, %add3A_115 : i32
        "tpu.region"() ({
          %run_scoped3A = tpu.sem_alloc : memref<!tpu.dma_semaphore, #tpu.memory_space<semaphore_mem>>
          %dma_start3A = arith.constant 896 : i32
          %dma_start3A_117 = arith.constant 0 : i32
          %dma_start3A_118 = tpu.memref_slice %arg9[%dma_start3A, %dma_start3A_117] : memref<1024x16xf32, #tpu.memory_space<vmem>> -> memref<128x16xf32, #tpu.memory_space<vmem>>
          %dma_start3A_119 = arith.constant 0 : i32
          %dma_start3A_120 = tpu.memref_slice %arg8[%add3A_116, %dma_start3A_119] : memref<79x128xi32, #tpu.memory_space<vmem>> -> memref<1x128xi32, #tpu.memory_space<vmem>>
          %dma_start3A_121 = tpu.memref_squeeze %dma_start3A_120 : memref<1x128xi32, #tpu.memory_space<vmem>> -> memref<128xi32, #tpu.memory_space<vmem>>
          %dma_start3A_122 = arith.constant 0 : i32
          %dma_start3A_123 = arith.constant 0 : i32
          %dma_start3A_124 = tpu.memref_slice %arg11[%dma_start3A_122, %dma_start3A_123] : memref<10000x16xf32, #tpu.memory_space<vmem_shared>> -> memref<10000x16xf32, #tpu.memory_space<vmem_shared>>
          tpu.enqueue_indirect_dma source(%dma_start3A_118 : memref<128x16xf32, #tpu.memory_space<vmem>>) target(%dma_start3A_124 : memref<10000x16xf32, #tpu.memory_space<vmem_shared>>) offsets(%dma_start3A_121 : memref<128xi32, #tpu.memory_space<vmem>>) semaphore(%run_scoped3A : memref<!tpu.dma_semaphore, #tpu.memory_space<semaphore_mem>>) {add = true}
          %dma_wait3A = arith.constant 896 : i32
          %dma_wait3A_125 = arith.constant 0 : i32
          %dma_wait3A_126 = tpu.memref_slice %arg9[%dma_wait3A, %dma_wait3A_125] : memref<1024x16xf32, #tpu.memory_space<vmem>> -> memref<128x16xf32, #tpu.memory_space<vmem>>
          %dma_wait3A_127 = arith.constant 0 : i32
          %dma_wait3A_128 = tpu.memref_slice %arg8[%add3A_116, %dma_wait3A_127] : memref<79x128xi32, #tpu.memory_space<vmem>> -> memref<1x128xi32, #tpu.memory_space<vmem>>
          %dma_wait3A_129 = tpu.memref_squeeze %dma_wait3A_128 : memref<1x128xi32, #tpu.memory_space<vmem>> -> memref<128xi32, #tpu.memory_space<vmem>>
          %dma_wait3A_130 = arith.constant 0 : i32
          %dma_wait3A_131 = arith.constant 0 : i32
          %dma_wait3A_132 = tpu.memref_slice %arg11[%dma_wait3A_130, %dma_wait3A_131] : memref<10000x16xf32, #tpu.memory_space<vmem_shared>> -> memref<10000x16xf32, #tpu.memory_space<vmem_shared>>
          tpu.wait_indirect_dma semaphore(%run_scoped3A : memref<!tpu.dma_semaphore, #tpu.memory_space<semaphore_mem>>) src(%dma_wait3A_126 : memref<128x16xf32, #tpu.memory_space<vmem>>) dst(%dma_wait3A_132 : memref<10000x16xf32, #tpu.memory_space<vmem_shared>>)
          tpu.yield
        }) : () -> ()
        "tpu.region"() ({
          %run_scoped3A = tpu.sem_alloc : memref<!tpu.dma_semaphore, #tpu.memory_space<semaphore_mem>>
          %dma_start3A = arith.constant 0 : i32
          %dma_start3A_117 = tpu.memref_slice %arg8[%add3A_116, %dma_start3A] : memref<79x128xi32, #tpu.memory_space<vmem>> -> memref<1x128xi32, #tpu.memory_space<vmem>>
          %dma_start3A_118 = tpu.memref_squeeze %dma_start3A_117 : memref<1x128xi32, #tpu.memory_space<vmem>> -> memref<128xi32, #tpu.memory_space<vmem>>
          %dma_start3A_119 = arith.constant 0 : i32
          %dma_start3A_120 = arith.constant 0 : i32
          %dma_start3A_121 = tpu.memref_slice %arg12[%dma_start3A_119, %dma_start3A_120] : memref<10000x16xf32, #tpu.memory_space<vmem_shared>> -> memref<10000x16xf32, #tpu.memory_space<vmem_shared>>
          tpu.enqueue_indirect_dma source(%arg10 : memref<128x16xf32, #tpu.memory_space<vmem>>) target(%dma_start3A_121 : memref<10000x16xf32, #tpu.memory_space<vmem_shared>>) offsets(%dma_start3A_118 : memref<128xi32, #tpu.memory_space<vmem>>) semaphore(%run_scoped3A : memref<!tpu.dma_semaphore, #tpu.memory_space<semaphore_mem>>) {add = true}
          %dma_wait3A = arith.constant 0 : i32
          %dma_wait3A_122 = tpu.memref_slice %arg8[%add3A_116, %dma_wait3A] : memref<79x128xi32, #tpu.memory_space<vmem>> -> memref<1x128xi32, #tpu.memory_space<vmem>>
          %dma_wait3A_123 = tpu.memref_squeeze %dma_wait3A_122 : memref<1x128xi32, #tpu.memory_space<vmem>> -> memref<128xi32, #tpu.memory_space<vmem>>
          %dma_wait3A_124 = arith.constant 0 : i32
          %dma_wait3A_125 = arith.constant 0 : i32
          %dma_wait3A_126 = tpu.memref_slice %arg12[%dma_wait3A_124, %dma_wait3A_125] : memref<10000x16xf32, #tpu.memory_space<vmem_shared>> -> memref<10000x16xf32, #tpu.memory_space<vmem_shared>>
          tpu.wait_indirect_dma semaphore(%run_scoped3A : memref<!tpu.dma_semaphore, #tpu.memory_space<semaphore_mem>>) src(%arg10 : memref<128x16xf32, #tpu.memory_space<vmem>>) dst(%dma_wait3A_126 : memref<10000x16xf32, #tpu.memory_space<vmem_shared>>)
          tpu.yield
        }) : () -> ()
      } else {
      }
    }
    %scan3A_46 = arith.constant 10 : i32
    %mul3A_47 = arith.constant 8 : i32
    %mul3A_48 = arith.muli %select_n3A, %mul3A_47 : i32
    %while3A = arith.constant 0 : i32
    %while3A_49 = arith.subi %add3A_20, %mul3A_48 : i32
    %while3A_50 = arith.addi %mul3A_48, %while3A_49 : i32
    %while3A_51 = arith.constant 1 : i32
    %while3A_52 = arith.divsi %while3A_49, %while3A_51 : i32
    %while3A_53 = arith.muli %while3A_52, %while3A_51 : i32
    %while3A_54 = arith.addi %mul3A_48, %while3A_53 : i32
    %while3A_55 = arith.constant 1 : i32
    scf.for %while3A_74 = %mul3A_48 to %while3A_54 step %while3A_55  : i32 {
      %add3A_75 = arith.addi %add3A_16, %while3A_74 : i32
      %mul3A_76 = arith.constant 128 : i32
      %mul3A_77 = arith.muli %add3A_75, %mul3A_76 : i32
      %multiple_of3A_78 = tpu.assume_multiple %mul3A_77, 128 : i32
      "tpu.region"() ({
        %run_scoped3A = tpu.sem_alloc : memref<!tpu.dma_semaphore, #tpu.memory_space<semaphore_mem>>
        %dma_start3A = arith.constant 0 : i32
        %dma_start3A_79 = arith.constant 0 : i32
        %dma_start3A_80 = tpu.memref_slice %arg9[%dma_start3A, %dma_start3A_79] : memref<1024x16xf32, #tpu.memory_space<vmem>> -> memref<128x16xf32, #tpu.memory_space<vmem>>
        %dma_start3A_81 = arith.constant 0 : i32
        %dma_start3A_82 = tpu.memref_slice %arg3[%multiple_of3A_78, %dma_start3A_81] : memref<320000x16xf32, #tpu.memory_space<hbm>> -> memref<128x16xf32, #tpu.memory_space<hbm>>
        %dma_start3A_83 = arith.constant 0 : i32
        %dma_start3A_84 = arith.constant 0 : i32
        %dma_start3A_85 = tpu.memref_slice %arg9[%dma_start3A_83, %dma_start3A_84] : memref<1024x16xf32, #tpu.memory_space<vmem>> -> memref<128x16xf32, #tpu.memory_space<vmem>>
        %dma_start3A_86 = arith.constant 0 : i32
        %dma_start3A_87 = tpu.memref_slice %arg3[%multiple_of3A_78, %dma_start3A_86] : memref<320000x16xf32, #tpu.memory_space<hbm>> -> memref<128x16xf32, #tpu.memory_space<hbm>>
        tpu.enqueue_dma source(%dma_start3A_87 : memref<128x16xf32, #tpu.memory_space<hbm>>) target(%dma_start3A_85 : memref<128x16xf32, #tpu.memory_space<vmem>>) target_semaphore(%run_scoped3A : memref<!tpu.dma_semaphore, #tpu.memory_space<semaphore_mem>>)
        %dma_wait3A = arith.constant 0 : i32
        %dma_wait3A_88 = arith.constant 0 : i32
        %dma_wait3A_89 = tpu.memref_slice %arg9[%dma_wait3A, %dma_wait3A_88] : memref<1024x16xf32, #tpu.memory_space<vmem>> -> memref<128x16xf32, #tpu.memory_space<vmem>>
        %dma_wait3A_90 = arith.constant 0 : i32
        %dma_wait3A_91 = tpu.memref_slice %arg3[%multiple_of3A_78, %dma_wait3A_90] : memref<320000x16xf32, #tpu.memory_space<hbm>> -> memref<128x16xf32, #tpu.memory_space<hbm>>
        %dma_wait3A_92 = arith.constant 0 : i32
        %dma_wait3A_93 = arith.constant 0 : i32
        %dma_wait3A_94 = tpu.memref_slice %arg9[%dma_wait3A_92, %dma_wait3A_93] : memref<1024x16xf32, #tpu.memory_space<vmem>> -> memref<128x16xf32, #tpu.memory_space<vmem>>
        %dma_wait3A_95 = arith.constant 0 : i32
        %dma_wait3A_96 = tpu.memref_slice %arg3[%multiple_of3A_78, %dma_wait3A_95] : memref<320000x16xf32, #tpu.memory_space<hbm>> -> memref<128x16xf32, #tpu.memory_space<hbm>>
        tpu.wait_dma2 semaphore(%run_scoped3A : memref<!tpu.dma_semaphore, #tpu.memory_space<semaphore_mem>>) src(%dma_wait3A_96 : memref<128x16xf32, #tpu.memory_space<hbm>>) dst(%dma_wait3A_94 : memref<128x16xf32, #tpu.memory_space<vmem>>)
        tpu.yield
      }) : () -> ()
      "tpu.region"() ({
        %run_scoped3A = tpu.sem_alloc : memref<!tpu.dma_semaphore, #tpu.memory_space<semaphore_mem>>
        %dma_start3A = arith.constant 0 : i32
        %dma_start3A_79 = arith.constant 0 : i32
        %dma_start3A_80 = tpu.memref_slice %arg9[%dma_start3A, %dma_start3A_79] : memref<1024x16xf32, #tpu.memory_space<vmem>> -> memref<128x16xf32, #tpu.memory_space<vmem>>
        %dma_start3A_81 = arith.constant 0 : i32
        %dma_start3A_82 = tpu.memref_slice %arg8[%while3A_74, %dma_start3A_81] : memref<79x128xi32, #tpu.memory_space<vmem>> -> memref<1x128xi32, #tpu.memory_space<vmem>>
        %dma_start3A_83 = tpu.memref_squeeze %dma_start3A_82 : memref<1x128xi32, #tpu.memory_space<vmem>> -> memref<128xi32, #tpu.memory_space<vmem>>
        %dma_start3A_84 = arith.constant 0 : i32
        %dma_start3A_85 = arith.constant 0 : i32
        %dma_start3A_86 = tpu.memref_slice %arg11[%dma_start3A_84, %dma_start3A_85] : memref<10000x16xf32, #tpu.memory_space<vmem_shared>> -> memref<10000x16xf32, #tpu.memory_space<vmem_shared>>
        tpu.enqueue_indirect_dma source(%dma_start3A_80 : memref<128x16xf32, #tpu.memory_space<vmem>>) target(%dma_start3A_86 : memref<10000x16xf32, #tpu.memory_space<vmem_shared>>) offsets(%dma_start3A_83 : memref<128xi32, #tpu.memory_space<vmem>>) semaphore(%run_scoped3A : memref<!tpu.dma_semaphore, #tpu.memory_space<semaphore_mem>>) {add = true}
        %dma_wait3A = arith.constant 0 : i32
        %dma_wait3A_87 = arith.constant 0 : i32
        %dma_wait3A_88 = tpu.memref_slice %arg9[%dma_wait3A, %dma_wait3A_87] : memref<1024x16xf32, #tpu.memory_space<vmem>> -> memref<128x16xf32, #tpu.memory_space<vmem>>
        %dma_wait3A_89 = arith.constant 0 : i32
        %dma_wait3A_90 = tpu.memref_slice %arg8[%while3A_74, %dma_wait3A_89] : memref<79x128xi32, #tpu.memory_space<vmem>> -> memref<1x128xi32, #tpu.memory_space<vmem>>
        %dma_wait3A_91 = tpu.memref_squeeze %dma_wait3A_90 : memref<1x128xi32, #tpu.memory_space<vmem>> -> memref<128xi32, #tpu.memory_space<vmem>>
        %dma_wait3A_92 = arith.constant 0 : i32
        %dma_wait3A_93 = arith.constant 0 : i32
        %dma_wait3A_94 = tpu.memref_slice %arg11[%dma_wait3A_92, %dma_wait3A_93] : memref<10000x16xf32, #tpu.memory_space<vmem_shared>> -> memref<10000x16xf32, #tpu.memory_space<vmem_shared>>
        tpu.wait_indirect_dma semaphore(%run_scoped3A : memref<!tpu.dma_semaphore, #tpu.memory_space<semaphore_mem>>) src(%dma_wait3A_88 : memref<128x16xf32, #tpu.memory_space<vmem>>) dst(%dma_wait3A_94 : memref<10000x16xf32, #tpu.memory_space<vmem_shared>>)
        tpu.yield
      }) : () -> ()
      "tpu.region"() ({
        %run_scoped3A = tpu.sem_alloc : memref<!tpu.dma_semaphore, #tpu.memory_space<semaphore_mem>>
        %dma_start3A = arith.constant 0 : i32
        %dma_start3A_79 = tpu.memref_slice %arg8[%while3A_74, %dma_start3A] : memref<79x128xi32, #tpu.memory_space<vmem>> -> memref<1x128xi32, #tpu.memory_space<vmem>>
        %dma_start3A_80 = tpu.memref_squeeze %dma_start3A_79 : memref<1x128xi32, #tpu.memory_space<vmem>> -> memref<128xi32, #tpu.memory_space<vmem>>
        %dma_start3A_81 = arith.constant 0 : i32
        %dma_start3A_82 = arith.constant 0 : i32
        %dma_start3A_83 = tpu.memref_slice %arg12[%dma_start3A_81, %dma_start3A_82] : memref<10000x16xf32, #tpu.memory_space<vmem_shared>> -> memref<10000x16xf32, #tpu.memory_space<vmem_shared>>
        tpu.enqueue_indirect_dma source(%arg10 : memref<128x16xf32, #tpu.memory_space<vmem>>) target(%dma_start3A_83 : memref<10000x16xf32, #tpu.memory_space<vmem_shared>>) offsets(%dma_start3A_80 : memref<128xi32, #tpu.memory_space<vmem>>) semaphore(%run_scoped3A : memref<!tpu.dma_semaphore, #tpu.memory_space<semaphore_mem>>) {add = true}
        %dma_wait3A = arith.constant 0 : i32
        %dma_wait3A_84 = tpu.memref_slice %arg8[%while3A_74, %dma_wait3A] : memref<79x128xi32, #tpu.memory_space<vmem>> -> memref<1x128xi32, #tpu.memory_space<vmem>>
        %dma_wait3A_85 = tpu.memref_squeeze %dma_wait3A_84 : memref<1x128xi32, #tpu.memory_space<vmem>> -> memref<128xi32, #tpu.memory_space<vmem>>
        %dma_wait3A_86 = arith.constant 0 : i32
        %dma_wait3A_87 = arith.constant 0 : i32
        %dma_wait3A_88 = tpu.memref_slice %arg12[%dma_wait3A_86, %dma_wait3A_87] : memref<10000x16xf32, #tpu.memory_space<vmem_shared>> -> memref<10000x16xf32, #tpu.memory_space<vmem_shared>>
        tpu.wait_indirect_dma semaphore(%run_scoped3A : memref<!tpu.dma_semaphore, #tpu.memory_space<semaphore_mem>>) src(%arg10 : memref<128x16xf32, #tpu.memory_space<vmem>>) dst(%dma_wait3A_88 : memref<10000x16xf32, #tpu.memory_space<vmem_shared>>)
        tpu.yield
      }) : () -> ()
    }
    %while3A_56 = arith.constant 1 : i32
    scf.for %while3A_74 = %while3A_54 to %while3A_50 step %while3A_56  : i32 {
      %add3A_75 = arith.addi %add3A_16, %while3A_74 : i32
      %mul3A_76 = arith.constant 128 : i32
      %mul3A_77 = arith.muli %add3A_75, %mul3A_76 : i32
      %multiple_of3A_78 = tpu.assume_multiple %mul3A_77, 128 : i32
      "tpu.region"() ({
        %run_scoped3A = tpu.sem_alloc : memref<!tpu.dma_semaphore, #tpu.memory_space<semaphore_mem>>
        %dma_start3A = arith.constant 0 : i32
        %dma_start3A_79 = arith.constant 0 : i32
        %dma_start3A_80 = tpu.memref_slice %arg9[%dma_start3A, %dma_start3A_79] : memref<1024x16xf32, #tpu.memory_space<vmem>> -> memref<128x16xf32, #tpu.memory_space<vmem>>
        %dma_start3A_81 = arith.constant 0 : i32
        %dma_start3A_82 = tpu.memref_slice %arg3[%multiple_of3A_78, %dma_start3A_81] : memref<320000x16xf32, #tpu.memory_space<hbm>> -> memref<128x16xf32, #tpu.memory_space<hbm>>
        %dma_start3A_83 = arith.constant 0 : i32
        %dma_start3A_84 = arith.constant 0 : i32
        %dma_start3A_85 = tpu.memref_slice %arg9[%dma_start3A_83, %dma_start3A_84] : memref<1024x16xf32, #tpu.memory_space<vmem>> -> memref<128x16xf32, #tpu.memory_space<vmem>>
        %dma_start3A_86 = arith.constant 0 : i32
        %dma_start3A_87 = tpu.memref_slice %arg3[%multiple_of3A_78, %dma_start3A_86] : memref<320000x16xf32, #tpu.memory_space<hbm>> -> memref<128x16xf32, #tpu.memory_space<hbm>>
        tpu.enqueue_dma source(%dma_start3A_87 : memref<128x16xf32, #tpu.memory_space<hbm>>) target(%dma_start3A_85 : memref<128x16xf32, #tpu.memory_space<vmem>>) target_semaphore(%run_scoped3A : memref<!tpu.dma_semaphore, #tpu.memory_space<semaphore_mem>>)
        %dma_wait3A = arith.constant 0 : i32
        %dma_wait3A_88 = arith.constant 0 : i32
        %dma_wait3A_89 = tpu.memref_slice %arg9[%dma_wait3A, %dma_wait3A_88] : memref<1024x16xf32, #tpu.memory_space<vmem>> -> memref<128x16xf32, #tpu.memory_space<vmem>>
        %dma_wait3A_90 = arith.constant 0 : i32
        %dma_wait3A_91 = tpu.memref_slice %arg3[%multiple_of3A_78, %dma_wait3A_90] : memref<320000x16xf32, #tpu.memory_space<hbm>> -> memref<128x16xf32, #tpu.memory_space<hbm>>
        %dma_wait3A_92 = arith.constant 0 : i32
        %dma_wait3A_93 = arith.constant 0 : i32
        %dma_wait3A_94 = tpu.memref_slice %arg9[%dma_wait3A_92, %dma_wait3A_93] : memref<1024x16xf32, #tpu.memory_space<vmem>> -> memref<128x16xf32, #tpu.memory_space<vmem>>
        %dma_wait3A_95 = arith.constant 0 : i32
        %dma_wait3A_96 = tpu.memref_slice %arg3[%multiple_of3A_78, %dma_wait3A_95] : memref<320000x16xf32, #tpu.memory_space<hbm>> -> memref<128x16xf32, #tpu.memory_space<hbm>>
        tpu.wait_dma2 semaphore(%run_scoped3A : memref<!tpu.dma_semaphore, #tpu.memory_space<semaphore_mem>>) src(%dma_wait3A_96 : memref<128x16xf32, #tpu.memory_space<hbm>>) dst(%dma_wait3A_94 : memref<128x16xf32, #tpu.memory_space<vmem>>)
        tpu.yield
      }) : () -> ()
      "tpu.region"() ({
        %run_scoped3A = tpu.sem_alloc : memref<!tpu.dma_semaphore, #tpu.memory_space<semaphore_mem>>
        %dma_start3A = arith.constant 0 : i32
        %dma_start3A_79 = arith.constant 0 : i32
        %dma_start3A_80 = tpu.memref_slice %arg9[%dma_start3A, %dma_start3A_79] : memref<1024x16xf32, #tpu.memory_space<vmem>> -> memref<128x16xf32, #tpu.memory_space<vmem>>
        %dma_start3A_81 = arith.constant 0 : i32
        %dma_start3A_82 = tpu.memref_slice %arg8[%while3A_74, %dma_start3A_81] : memref<79x128xi32, #tpu.memory_space<vmem>> -> memref<1x128xi32, #tpu.memory_space<vmem>>
        %dma_start3A_83 = tpu.memref_squeeze %dma_start3A_82 : memref<1x128xi32, #tpu.memory_space<vmem>> -> memref<128xi32, #tpu.memory_space<vmem>>
        %dma_start3A_84 = arith.constant 0 : i32
        %dma_start3A_85 = arith.constant 0 : i32
        %dma_start3A_86 = tpu.memref_slice %arg11[%dma_start3A_84, %dma_start3A_85] : memref<10000x16xf32, #tpu.memory_space<vmem_shared>> -> memref<10000x16xf32, #tpu.memory_space<vmem_shared>>
        tpu.enqueue_indirect_dma source(%dma_start3A_80 : memref<128x16xf32, #tpu.memory_space<vmem>>) target(%dma_start3A_86 : memref<10000x16xf32, #tpu.memory_space<vmem_shared>>) offsets(%dma_start3A_83 : memref<128xi32, #tpu.memory_space<vmem>>) semaphore(%run_scoped3A : memref<!tpu.dma_semaphore, #tpu.memory_space<semaphore_mem>>) {add = true}
        %dma_wait3A = arith.constant 0 : i32
        %dma_wait3A_87 = arith.constant 0 : i32
        %dma_wait3A_88 = tpu.memref_slice %arg9[%dma_wait3A, %dma_wait3A_87] : memref<1024x16xf32, #tpu.memory_space<vmem>> -> memref<128x16xf32, #tpu.memory_space<vmem>>
        %dma_wait3A_89 = arith.constant 0 : i32
        %dma_wait3A_90 = tpu.memref_slice %arg8[%while3A_74, %dma_wait3A_89] : memref<79x128xi32, #tpu.memory_space<vmem>> -> memref<1x128xi32, #tpu.memory_space<vmem>>
        %dma_wait3A_91 = tpu.memref_squeeze %dma_wait3A_90 : memref<1x128xi32, #tpu.memory_space<vmem>> -> memref<128xi32, #tpu.memory_space<vmem>>
        %dma_wait3A_92 = arith.constant 0 : i32
        %dma_wait3A_93 = arith.constant 0 : i32
        %dma_wait3A_94 = tpu.memref_slice %arg11[%dma_wait3A_92, %dma_wait3A_93] : memref<10000x16xf32, #tpu.memory_space<vmem_shared>> -> memref<10000x16xf32, #tpu.memory_space<vmem_shared>>
        tpu.wait_indirect_dma semaphore(%run_scoped3A : memref<!tpu.dma_semaphore, #tpu.memory_space<semaphore_mem>>) src(%dma_wait3A_88 : memref<128x16xf32, #tpu.memory_space<vmem>>) dst(%dma_wait3A_94 : memref<10000x16xf32, #tpu.memory_space<vmem_shared>>)
        tpu.yield
      }) : () -> ()
      "tpu.region"() ({
        %run_scoped3A = tpu.sem_alloc : memref<!tpu.dma_semaphore, #tpu.memory_space<semaphore_mem>>
        %dma_start3A = arith.constant 0 : i32
        %dma_start3A_79 = tpu.memref_slice %arg8[%while3A_74, %dma_start3A] : memref<79x128xi32, #tpu.memory_space<vmem>> -> memref<1x128xi32, #tpu.memory_space<vmem>>
        %dma_start3A_80 = tpu.memref_squeeze %dma_start3A_79 : memref<1x128xi32, #tpu.memory_space<vmem>> -> memref<128xi32, #tpu.memory_space<vmem>>
        %dma_start3A_81 = arith.constant 0 : i32
        %dma_start3A_82 = arith.constant 0 : i32
        %dma_start3A_83 = tpu.memref_slice %arg12[%dma_start3A_81, %dma_start3A_82] : memref<10000x16xf32, #tpu.memory_space<vmem_shared>> -> memref<10000x16xf32, #tpu.memory_space<vmem_shared>>
        tpu.enqueue_indirect_dma source(%arg10 : memref<128x16xf32, #tpu.memory_space<vmem>>) target(%dma_start3A_83 : memref<10000x16xf32, #tpu.memory_space<vmem_shared>>) offsets(%dma_start3A_80 : memref<128xi32, #tpu.memory_space<vmem>>) semaphore(%run_scoped3A : memref<!tpu.dma_semaphore, #tpu.memory_space<semaphore_mem>>) {add = true}
        %dma_wait3A = arith.constant 0 : i32
        %dma_wait3A_84 = tpu.memref_slice %arg8[%while3A_74, %dma_wait3A] : memref<79x128xi32, #tpu.memory_space<vmem>> -> memref<1x128xi32, #tpu.memory_space<vmem>>
        %dma_wait3A_85 = tpu.memref_squeeze %dma_wait3A_84 : memref<1x128xi32, #tpu.memory_space<vmem>> -> memref<128xi32, #tpu.memory_space<vmem>>
        %dma_wait3A_86 = arith.constant 0 : i32
        %dma_wait3A_87 = arith.constant 0 : i32
        %dma_wait3A_88 = tpu.memref_slice %arg12[%dma_wait3A_86, %dma_wait3A_87] : memref<10000x16xf32, #tpu.memory_space<vmem_shared>> -> memref<10000x16xf32, #tpu.memory_space<vmem_shared>>
        tpu.wait_indirect_dma semaphore(%run_scoped3A : memref<!tpu.dma_semaphore, #tpu.memory_space<semaphore_mem>>) src(%arg10 : memref<128x16xf32, #tpu.memory_space<vmem>>) dst(%dma_wait3A_88 : memref<10000x16xf32, #tpu.memory_space<vmem_shared>>)
        tpu.yield
      }) : () -> ()
    }
    %barrier3A_57 = arith.constant 0 : index
    tpu.barrier barrier_id(%barrier3A_57)
    %mul3A_58 = arith.constant 624 : i32
    %mul3A_59 = arith.muli %arg1, %mul3A_58 : i32
    %multiple_of3A_60 = tpu.assume_multiple %mul3A_59, 8 : i32
    "tpu.region"() ({
      %run_scoped3A = tpu.sem_alloc : memref<!tpu.dma_semaphore, #tpu.memory_space<semaphore_mem>>
      %dma_start3A = arith.constant 0 : i32
      %dma_start3A_74 = arith.constant 0 : i32
      %dma_start3A_75 = tpu.memref_slice %arg6[%arg0, %dma_start3A, %dma_start3A_74] : memref<2x10000x16xf32, #tpu.memory_space<hbm>> -> memref<1x10000x16xf32, #tpu.memory_space<hbm>>
      %dma_start3A_76 = tpu.memref_squeeze %dma_start3A_75 : memref<1x10000x16xf32, #tpu.memory_space<hbm>> -> memref<10000x16xf32, #tpu.memory_space<hbm>>
      %dma_start3A_77 = arith.constant 0 : i32
      %dma_start3A_78 = tpu.memref_slice %dma_start3A_76[%multiple_of3A_60, %dma_start3A_77] : memref<10000x16xf32, #tpu.memory_space<hbm>> -> memref<624x16xf32, #tpu.memory_space<hbm>>
      %dma_start3A_79 = arith.constant 0 : i32
      %dma_start3A_80 = tpu.memref_slice %arg11[%multiple_of3A_60, %dma_start3A_79] : memref<10000x16xf32, #tpu.memory_space<vmem_shared>> -> memref<624x16xf32, #tpu.memory_space<vmem_shared>>
      tpu.enqueue_dma source(%dma_start3A_80 : memref<624x16xf32, #tpu.memory_space<vmem_shared>>) target(%dma_start3A_78 : memref<624x16xf32, #tpu.memory_space<hbm>>) target_semaphore(%run_scoped3A : memref<!tpu.dma_semaphore, #tpu.memory_space<semaphore_mem>>)
      %dma_wait3A = arith.constant 0 : i32
      %dma_wait3A_81 = arith.constant 0 : i32
      %dma_wait3A_82 = tpu.memref_slice %arg6[%arg0, %dma_wait3A, %dma_wait3A_81] : memref<2x10000x16xf32, #tpu.memory_space<hbm>> -> memref<1x10000x16xf32, #tpu.memory_space<hbm>>
      %dma_wait3A_83 = tpu.memref_squeeze %dma_wait3A_82 : memref<1x10000x16xf32, #tpu.memory_space<hbm>> -> memref<10000x16xf32, #tpu.memory_space<hbm>>
      %dma_wait3A_84 = arith.constant 0 : i32
      %dma_wait3A_85 = tpu.memref_slice %dma_wait3A_83[%multiple_of3A_60, %dma_wait3A_84] : memref<10000x16xf32, #tpu.memory_space<hbm>> -> memref<624x16xf32, #tpu.memory_space<hbm>>
      %dma_wait3A_86 = arith.constant 0 : i32
      %dma_wait3A_87 = tpu.memref_slice %arg11[%multiple_of3A_60, %dma_wait3A_86] : memref<10000x16xf32, #tpu.memory_space<vmem_shared>> -> memref<624x16xf32, #tpu.memory_space<vmem_shared>>
      tpu.wait_dma2 semaphore(%run_scoped3A : memref<!tpu.dma_semaphore, #tpu.memory_space<semaphore_mem>>) src(%dma_wait3A_87 : memref<624x16xf32, #tpu.memory_space<vmem_shared>>) dst(%dma_wait3A_85 : memref<624x16xf32, #tpu.memory_space<hbm>>)
      tpu.yield
    }) : () -> ()
    %eq3A_61 = arith.constant 15 : i32
    %eq3A_62 = arith.cmpi eq, %arg1, %eq3A_61 : i32
    %convert_element_type3A_63 = arith.extui %eq3A_62 : i1 to i32
    %cond3A_64 = arith.constant 0 : i32
    %cond3A_65 = arith.cmpi ne, %convert_element_type3A_63, %cond3A_64 : i32
    scf.if %cond3A_65 {
      "tpu.region"() ({
        %run_scoped3A = tpu.sem_alloc : memref<!tpu.dma_semaphore, #tpu.memory_space<semaphore_mem>>
        %dma_start3A = arith.constant 0 : i32
        %dma_start3A_74 = arith.constant 0 : i32
        %dma_start3A_75 = tpu.memref_slice %arg6[%arg0, %dma_start3A, %dma_start3A_74] : memref<2x10000x16xf32, #tpu.memory_space<hbm>> -> memref<1x10000x16xf32, #tpu.memory_space<hbm>>
        %dma_start3A_76 = tpu.memref_squeeze %dma_start3A_75 : memref<1x10000x16xf32, #tpu.memory_space<hbm>> -> memref<10000x16xf32, #tpu.memory_space<hbm>>
        %dma_start3A_77 = arith.constant 9984 : i32
        %dma_start3A_78 = arith.constant 0 : i32
        %dma_start3A_79 = tpu.memref_slice %dma_start3A_76[%dma_start3A_77, %dma_start3A_78] : memref<10000x16xf32, #tpu.memory_space<hbm>> -> memref<16x16xf32, #tpu.memory_space<hbm>>
        %dma_start3A_80 = arith.constant 9984 : i32
        %dma_start3A_81 = arith.constant 0 : i32
        %dma_start3A_82 = tpu.memref_slice %arg11[%dma_start3A_80, %dma_start3A_81] : memref<10000x16xf32, #tpu.memory_space<vmem_shared>> -> memref<16x16xf32, #tpu.memory_space<vmem_shared>>
        tpu.enqueue_dma source(%dma_start3A_82 : memref<16x16xf32, #tpu.memory_space<vmem_shared>>) target(%dma_start3A_79 : memref<16x16xf32, #tpu.memory_space<hbm>>) target_semaphore(%run_scoped3A : memref<!tpu.dma_semaphore, #tpu.memory_space<semaphore_mem>>)
        %dma_wait3A = arith.constant 0 : i32
        %dma_wait3A_83 = arith.constant 0 : i32
        %dma_wait3A_84 = tpu.memref_slice %arg6[%arg0, %dma_wait3A, %dma_wait3A_83] : memref<2x10000x16xf32, #tpu.memory_space<hbm>> -> memref<1x10000x16xf32, #tpu.memory_space<hbm>>
        %dma_wait3A_85 = tpu.memref_squeeze %dma_wait3A_84 : memref<1x10000x16xf32, #tpu.memory_space<hbm>> -> memref<10000x16xf32, #tpu.memory_space<hbm>>
        %dma_wait3A_86 = arith.constant 9984 : i32
        %dma_wait3A_87 = arith.constant 0 : i32
        %dma_wait3A_88 = tpu.memref_slice %dma_wait3A_85[%dma_wait3A_86, %dma_wait3A_87] : memref<10000x16xf32, #tpu.memory_space<hbm>> -> memref<16x16xf32, #tpu.memory_space<hbm>>
        %dma_wait3A_89 = arith.constant 9984 : i32
        %dma_wait3A_90 = arith.constant 0 : i32
        %dma_wait3A_91 = tpu.memref_slice %arg11[%dma_wait3A_89, %dma_wait3A_90] : memref<10000x16xf32, #tpu.memory_space<vmem_shared>> -> memref<16x16xf32, #tpu.memory_space<vmem_shared>>
        tpu.wait_dma2 semaphore(%run_scoped3A : memref<!tpu.dma_semaphore, #tpu.memory_space<semaphore_mem>>) src(%dma_wait3A_91 : memref<16x16xf32, #tpu.memory_space<vmem_shared>>) dst(%dma_wait3A_88 : memref<16x16xf32, #tpu.memory_space<hbm>>)
        tpu.yield
      }) : () -> ()
    } else {
    }
    %mul3A_66 = arith.constant 624 : i32
    %mul3A_67 = arith.muli %arg1, %mul3A_66 : i32
    %multiple_of3A_68 = tpu.assume_multiple %mul3A_67, 8 : i32
    "tpu.region"() ({
      %run_scoped3A = tpu.sem_alloc : memref<!tpu.dma_semaphore, #tpu.memory_space<semaphore_mem>>
      %dma_start3A = arith.constant 0 : i32
      %dma_start3A_74 = arith.constant 0 : i32
      %dma_start3A_75 = tpu.memref_slice %arg7[%arg0, %dma_start3A, %dma_start3A_74] : memref<2x10000x16xf32, #tpu.memory_space<hbm>> -> memref<1x10000x16xf32, #tpu.memory_space<hbm>>
      %dma_start3A_76 = tpu.memref_squeeze %dma_start3A_75 : memref<1x10000x16xf32, #tpu.memory_space<hbm>> -> memref<10000x16xf32, #tpu.memory_space<hbm>>
      %dma_start3A_77 = arith.constant 0 : i32
      %dma_start3A_78 = tpu.memref_slice %dma_start3A_76[%multiple_of3A_68, %dma_start3A_77] : memref<10000x16xf32, #tpu.memory_space<hbm>> -> memref<624x16xf32, #tpu.memory_space<hbm>>
      %dma_start3A_79 = arith.constant 0 : i32
      %dma_start3A_80 = tpu.memref_slice %arg12[%multiple_of3A_68, %dma_start3A_79] : memref<10000x16xf32, #tpu.memory_space<vmem_shared>> -> memref<624x16xf32, #tpu.memory_space<vmem_shared>>
      tpu.enqueue_dma source(%dma_start3A_80 : memref<624x16xf32, #tpu.memory_space<vmem_shared>>) target(%dma_start3A_78 : memref<624x16xf32, #tpu.memory_space<hbm>>) target_semaphore(%run_scoped3A : memref<!tpu.dma_semaphore, #tpu.memory_space<semaphore_mem>>)
      %dma_wait3A = arith.constant 0 : i32
      %dma_wait3A_81 = arith.constant 0 : i32
      %dma_wait3A_82 = tpu.memref_slice %arg7[%arg0, %dma_wait3A, %dma_wait3A_81] : memref<2x10000x16xf32, #tpu.memory_space<hbm>> -> memref<1x10000x16xf32, #tpu.memory_space<hbm>>
      %dma_wait3A_83 = tpu.memref_squeeze %dma_wait3A_82 : memref<1x10000x16xf32, #tpu.memory_space<hbm>> -> memref<10000x16xf32, #tpu.memory_space<hbm>>
      %dma_wait3A_84 = arith.constant 0 : i32
      %dma_wait3A_85 = tpu.memref_slice %dma_wait3A_83[%multiple_of3A_68, %dma_wait3A_84] : memref<10000x16xf32, #tpu.memory_space<hbm>> -> memref<624x16xf32, #tpu.memory_space<hbm>>
      %dma_wait3A_86 = arith.constant 0 : i32
      %dma_wait3A_87 = tpu.memref_slice %arg12[%multiple_of3A_68, %dma_wait3A_86] : memref<10000x16xf32, #tpu.memory_space<vmem_shared>> -> memref<624x16xf32, #tpu.memory_space<vmem_shared>>
      tpu.wait_dma2 semaphore(%run_scoped3A : memref<!tpu.dma_semaphore, #tpu.memory_space<semaphore_mem>>) src(%dma_wait3A_87 : memref<624x16xf32, #tpu.memory_space<vmem_shared>>) dst(%dma_wait3A_85 : memref<624x16xf32, #tpu.memory_space<hbm>>)
      tpu.yield
    }) : () -> ()
    %eq3A_69 = arith.constant 15 : i32
    %eq3A_70 = arith.cmpi eq, %arg1, %eq3A_69 : i32
    %convert_element_type3A_71 = arith.extui %eq3A_70 : i1 to i32
    %cond3A_72 = arith.constant 0 : i32
    %cond3A_73 = arith.cmpi ne, %convert_element_type3A_71, %cond3A_72 : i32
    scf.if %cond3A_73 {
      "tpu.region"() ({
        %run_scoped3A = tpu.sem_alloc : memref<!tpu.dma_semaphore, #tpu.memory_space<semaphore_mem>>
        %dma_start3A = arith.constant 0 : i32
        %dma_start3A_74 = arith.constant 0 : i32
        %dma_start3A_75 = tpu.memref_slice %arg7[%arg0, %dma_start3A, %dma_start3A_74] : memref<2x10000x16xf32, #tpu.memory_space<hbm>> -> memref<1x10000x16xf32, #tpu.memory_space<hbm>>
        %dma_start3A_76 = tpu.memref_squeeze %dma_start3A_75 : memref<1x10000x16xf32, #tpu.memory_space<hbm>> -> memref<10000x16xf32, #tpu.memory_space<hbm>>
        %dma_start3A_77 = arith.constant 9984 : i32
        %dma_start3A_78 = arith.constant 0 : i32
        %dma_start3A_79 = tpu.memref_slice %dma_start3A_76[%dma_start3A_77, %dma_start3A_78] : memref<10000x16xf32, #tpu.memory_space<hbm>> -> memref<16x16xf32, #tpu.memory_space<hbm>>
        %dma_start3A_80 = arith.constant 9984 : i32
        %dma_start3A_81 = arith.constant 0 : i32
        %dma_start3A_82 = tpu.memref_slice %arg12[%dma_start3A_80, %dma_start3A_81] : memref<10000x16xf32, #tpu.memory_space<vmem_shared>> -> memref<16x16xf32, #tpu.memory_space<vmem_shared>>
        tpu.enqueue_dma source(%dma_start3A_82 : memref<16x16xf32, #tpu.memory_space<vmem_shared>>) target(%dma_start3A_79 : memref<16x16xf32, #tpu.memory_space<hbm>>) target_semaphore(%run_scoped3A : memref<!tpu.dma_semaphore, #tpu.memory_space<semaphore_mem>>)
        %dma_wait3A = arith.constant 0 : i32
        %dma_wait3A_83 = arith.constant 0 : i32
        %dma_wait3A_84 = tpu.memref_slice %arg7[%arg0, %dma_wait3A, %dma_wait3A_83] : memref<2x10000x16xf32, #tpu.memory_space<hbm>> -> memref<1x10000x16xf32, #tpu.memory_space<hbm>>
        %dma_wait3A_85 = tpu.memref_squeeze %dma_wait3A_84 : memref<1x10000x16xf32, #tpu.memory_space<hbm>> -> memref<10000x16xf32, #tpu.memory_space<hbm>>
        %dma_wait3A_86 = arith.constant 9984 : i32
        %dma_wait3A_87 = arith.constant 0 : i32
        %dma_wait3A_88 = tpu.memref_slice %dma_wait3A_85[%dma_wait3A_86, %dma_wait3A_87] : memref<10000x16xf32, #tpu.memory_space<hbm>> -> memref<16x16xf32, #tpu.memory_space<hbm>>
        %dma_wait3A_89 = arith.constant 9984 : i32
        %dma_wait3A_90 = arith.constant 0 : i32
        %dma_wait3A_91 = tpu.memref_slice %arg12[%dma_wait3A_89, %dma_wait3A_90] : memref<10000x16xf32, #tpu.memory_space<vmem_shared>> -> memref<16x16xf32, #tpu.memory_space<vmem_shared>>
        tpu.wait_dma2 semaphore(%run_scoped3A : memref<!tpu.dma_semaphore, #tpu.memory_space<semaphore_mem>>) src(%dma_wait3A_91 : memref<16x16xf32, #tpu.memory_space<vmem_shared>>) dst(%dma_wait3A_88 : memref<16x16xf32, #tpu.memory_space<hbm>>)
        tpu.yield
      }) : () -> ()
    } else {
    }
    return
  }
}

#map = affine_map<(d0, d1) -> (0, 0)>
module attributes {stable_mosaic.version = 14 : i64} {
  func.func @_gather_body(%arg0: i32, %arg1: i32, %arg2: memref<2500x128xi32, #tpu.memory_space<hbm>>, %arg3: memref<10000x16xf32, #tpu.memory_space<hbm>>, %arg4: memref<320000x16xf32, #tpu.memory_space<hbm>>, %arg5: memref<79x128xi32, #tpu.memory_space<vmem>>, %arg6: memref<128x16xf32, #tpu.memory_space<vmem>>, %arg7: memref<10000x16xf32, #tpu.memory_space<vmem_shared>>) attributes {dimension_semantics = [#tpu.dimension_semantics<core_parallel>, #tpu.dimension_semantics<subcore_parallel>], iteration_bounds = array<i64: 2, 16>, scalar_prefetch = 0 : i64, scratch_operands = 3 : i64, tpu.core_type = #tpu.core_type<sc_vector_subcore>, window_params = [{transform_indices = #map}, {transform_indices = #map}, {transform_indices = #map}]} {
    %mul3A = arith.constant 2 : i32
    %mul3A_0 = arith.muli %arg1, %mul3A : i32
    %add3A = arith.addi %mul3A_0, %arg0 : i32
    %mul3A_1 = arith.constant 624 : i32
    %mul3A_2 = arith.muli %arg1, %mul3A_1 : i32
    %multiple_of3A = tpu.assume_multiple %mul3A_2, 8 : i32
    "tpu.region"() ({
      %run_scoped3A = tpu.sem_alloc : memref<!tpu.dma_semaphore, #tpu.memory_space<semaphore_mem>>
      %dma_start3A = arith.constant 0 : i32
      %dma_start3A_23 = tpu.memref_slice %arg7[%multiple_of3A, %dma_start3A] : memref<10000x16xf32, #tpu.memory_space<vmem_shared>> -> memref<624x16xf32, #tpu.memory_space<vmem_shared>>
      %dma_start3A_24 = arith.constant 0 : i32
      %dma_start3A_25 = tpu.memref_slice %arg3[%multiple_of3A, %dma_start3A_24] : memref<10000x16xf32, #tpu.memory_space<hbm>> -> memref<624x16xf32, #tpu.memory_space<hbm>>
      tpu.enqueue_dma source(%dma_start3A_25 : memref<624x16xf32, #tpu.memory_space<hbm>>) target(%dma_start3A_23 : memref<624x16xf32, #tpu.memory_space<vmem_shared>>) target_semaphore(%run_scoped3A : memref<!tpu.dma_semaphore, #tpu.memory_space<semaphore_mem>>)
      %dma_wait3A = arith.constant 0 : i32
      %dma_wait3A_26 = tpu.memref_slice %arg7[%multiple_of3A, %dma_wait3A] : memref<10000x16xf32, #tpu.memory_space<vmem_shared>> -> memref<624x16xf32, #tpu.memory_space<vmem_shared>>
      %dma_wait3A_27 = arith.constant 0 : i32
      %dma_wait3A_28 = tpu.memref_slice %arg3[%multiple_of3A, %dma_wait3A_27] : memref<10000x16xf32, #tpu.memory_space<hbm>> -> memref<624x16xf32, #tpu.memory_space<hbm>>
      tpu.wait_dma2 semaphore(%run_scoped3A : memref<!tpu.dma_semaphore, #tpu.memory_space<semaphore_mem>>) src(%dma_wait3A_28 : memref<624x16xf32, #tpu.memory_space<hbm>>) dst(%dma_wait3A_26 : memref<624x16xf32, #tpu.memory_space<vmem_shared>>)
      tpu.yield
    }) : () -> ()
    %eq3A = arith.constant 15 : i32
    %eq3A_3 = arith.cmpi eq, %arg1, %eq3A : i32
    %convert_element_type3A = arith.extui %eq3A_3 : i1 to i32
    %cond3A = arith.constant 0 : i32
    %cond3A_4 = arith.cmpi ne, %convert_element_type3A, %cond3A : i32
    scf.if %cond3A_4 {
      "tpu.region"() ({
        %run_scoped3A = tpu.sem_alloc : memref<!tpu.dma_semaphore, #tpu.memory_space<semaphore_mem>>
        %dma_start3A = arith.constant 9984 : i32
        %dma_start3A_23 = arith.constant 0 : i32
        %dma_start3A_24 = tpu.memref_slice %arg7[%dma_start3A, %dma_start3A_23] : memref<10000x16xf32, #tpu.memory_space<vmem_shared>> -> memref<16x16xf32, #tpu.memory_space<vmem_shared>>
        %dma_start3A_25 = arith.constant 9984 : i32
        %dma_start3A_26 = arith.constant 0 : i32
        %dma_start3A_27 = tpu.memref_slice %arg3[%dma_start3A_25, %dma_start3A_26] : memref<10000x16xf32, #tpu.memory_space<hbm>> -> memref<16x16xf32, #tpu.memory_space<hbm>>
        tpu.enqueue_dma source(%dma_start3A_27 : memref<16x16xf32, #tpu.memory_space<hbm>>) target(%dma_start3A_24 : memref<16x16xf32, #tpu.memory_space<vmem_shared>>) target_semaphore(%run_scoped3A : memref<!tpu.dma_semaphore, #tpu.memory_space<semaphore_mem>>)
        %dma_wait3A = arith.constant 9984 : i32
        %dma_wait3A_28 = arith.constant 0 : i32
        %dma_wait3A_29 = tpu.memref_slice %arg7[%dma_wait3A, %dma_wait3A_28] : memref<10000x16xf32, #tpu.memory_space<vmem_shared>> -> memref<16x16xf32, #tpu.memory_space<vmem_shared>>
        %dma_wait3A_30 = arith.constant 9984 : i32
        %dma_wait3A_31 = arith.constant 0 : i32
        %dma_wait3A_32 = tpu.memref_slice %arg3[%dma_wait3A_30, %dma_wait3A_31] : memref<10000x16xf32, #tpu.memory_space<hbm>> -> memref<16x16xf32, #tpu.memory_space<hbm>>
        tpu.wait_dma2 semaphore(%run_scoped3A : memref<!tpu.dma_semaphore, #tpu.memory_space<semaphore_mem>>) src(%dma_wait3A_32 : memref<16x16xf32, #tpu.memory_space<hbm>>) dst(%dma_wait3A_29 : memref<16x16xf32, #tpu.memory_space<vmem_shared>>)
        tpu.yield
      }) : () -> ()
    } else {
    }
    %mul3A_5 = arith.constant 78 : i32
    %mul3A_6 = arith.muli %add3A, %mul3A_5 : i32
    %min3A = arith.constant 4 : i32
    %min3A_7 = arith.minsi %add3A, %min3A : i32
    %add3A_8 = arith.addi %mul3A_6, %min3A_7 : i32
    %lt3A = arith.constant 4 : i32
    %lt3A_9 = arith.cmpi slt, %add3A, %lt3A : i32
    %convert_element_type3A_10 = arith.extui %lt3A_9 : i1 to i32
    %add3A_11 = arith.constant 78 : i32
    %add3A_12 = arith.addi %add3A_11, %convert_element_type3A_10 : i32
    "tpu.region"() ({
      %run_scoped3A = tpu.sem_alloc : memref<!tpu.dma_semaphore, #tpu.memory_space<semaphore_mem>>
      %dma_start3A = arith.constant 0 : i32
      %dma_start3A_23 = arith.constant 0 : i32
      %dma_start3A_24 = tpu.memref_slice %arg5[%dma_start3A, %dma_start3A_23] : memref<79x128xi32, #tpu.memory_space<vmem>> -> memref<78x128xi32, #tpu.memory_space<vmem>>
      %dma_start3A_25 = arith.constant 0 : i32
      %dma_start3A_26 = tpu.memref_slice %arg2[%add3A_8, %dma_start3A_25] : memref<2500x128xi32, #tpu.memory_space<hbm>> -> memref<78x128xi32, #tpu.memory_space<hbm>>
      %dma_start3A_27 = arith.constant 0 : i32
      %dma_start3A_28 = arith.constant 0 : i32
      %dma_start3A_29 = tpu.memref_slice %arg5[%dma_start3A_27, %dma_start3A_28] : memref<79x128xi32, #tpu.memory_space<vmem>> -> memref<78x128xi32, #tpu.memory_space<vmem>>
      %dma_start3A_30 = arith.constant 0 : i32
      %dma_start3A_31 = tpu.memref_slice %arg2[%add3A_8, %dma_start3A_30] : memref<2500x128xi32, #tpu.memory_space<hbm>> -> memref<78x128xi32, #tpu.memory_space<hbm>>
      tpu.enqueue_dma source(%dma_start3A_31 : memref<78x128xi32, #tpu.memory_space<hbm>>) target(%dma_start3A_29 : memref<78x128xi32, #tpu.memory_space<vmem>>) target_semaphore(%run_scoped3A : memref<!tpu.dma_semaphore, #tpu.memory_space<semaphore_mem>>)
      %dma_wait3A = arith.constant 0 : i32
      %dma_wait3A_32 = arith.constant 0 : i32
      %dma_wait3A_33 = tpu.memref_slice %arg5[%dma_wait3A, %dma_wait3A_32] : memref<79x128xi32, #tpu.memory_space<vmem>> -> memref<78x128xi32, #tpu.memory_space<vmem>>
      %dma_wait3A_34 = arith.constant 0 : i32
      %dma_wait3A_35 = tpu.memref_slice %arg2[%add3A_8, %dma_wait3A_34] : memref<2500x128xi32, #tpu.memory_space<hbm>> -> memref<78x128xi32, #tpu.memory_space<hbm>>
      %dma_wait3A_36 = arith.constant 0 : i32
      %dma_wait3A_37 = arith.constant 0 : i32
      %dma_wait3A_38 = tpu.memref_slice %arg5[%dma_wait3A_36, %dma_wait3A_37] : memref<79x128xi32, #tpu.memory_space<vmem>> -> memref<78x128xi32, #tpu.memory_space<vmem>>
      %dma_wait3A_39 = arith.constant 0 : i32
      %dma_wait3A_40 = tpu.memref_slice %arg2[%add3A_8, %dma_wait3A_39] : memref<2500x128xi32, #tpu.memory_space<hbm>> -> memref<78x128xi32, #tpu.memory_space<hbm>>
      tpu.wait_dma2 semaphore(%run_scoped3A : memref<!tpu.dma_semaphore, #tpu.memory_space<semaphore_mem>>) src(%dma_wait3A_40 : memref<78x128xi32, #tpu.memory_space<hbm>>) dst(%dma_wait3A_38 : memref<78x128xi32, #tpu.memory_space<vmem>>)
      tpu.yield
    }) : () -> ()
    %lt3A_13 = arith.constant 4 : i32
    %lt3A_14 = arith.cmpi slt, %add3A, %lt3A_13 : i32
    %convert_element_type3A_15 = arith.extui %lt3A_14 : i1 to i32
    %cond3A_16 = arith.constant 0 : i32
    %cond3A_17 = arith.cmpi ne, %convert_element_type3A_15, %cond3A_16 : i32
    scf.if %cond3A_17 {
      %add3A_23 = arith.constant 78 : i32
      %add3A_24 = arith.addi %add3A_8, %add3A_23 : i32
      "tpu.region"() ({
        %run_scoped3A = tpu.sem_alloc : memref<!tpu.dma_semaphore, #tpu.memory_space<semaphore_mem>>
        %dma_start3A = arith.constant 78 : i32
        %dma_start3A_25 = arith.constant 0 : i32
        %dma_start3A_26 = tpu.memref_slice %arg5[%dma_start3A, %dma_start3A_25] : memref<79x128xi32, #tpu.memory_space<vmem>> -> memref<1x128xi32, #tpu.memory_space<vmem>>
        %dma_start3A_27 = arith.constant 0 : i32
        %dma_start3A_28 = tpu.memref_slice %arg2[%add3A_24, %dma_start3A_27] : memref<2500x128xi32, #tpu.memory_space<hbm>> -> memref<1x128xi32, #tpu.memory_space<hbm>>
        %dma_start3A_29 = arith.constant 78 : i32
        %dma_start3A_30 = arith.constant 0 : i32
        %dma_start3A_31 = tpu.memref_slice %arg5[%dma_start3A_29, %dma_start3A_30] : memref<79x128xi32, #tpu.memory_space<vmem>> -> memref<1x128xi32, #tpu.memory_space<vmem>>
        %dma_start3A_32 = arith.constant 0 : i32
        %dma_start3A_33 = tpu.memref_slice %arg2[%add3A_24, %dma_start3A_32] : memref<2500x128xi32, #tpu.memory_space<hbm>> -> memref<1x128xi32, #tpu.memory_space<hbm>>
        tpu.enqueue_dma source(%dma_start3A_33 : memref<1x128xi32, #tpu.memory_space<hbm>>) target(%dma_start3A_31 : memref<1x128xi32, #tpu.memory_space<vmem>>) target_semaphore(%run_scoped3A : memref<!tpu.dma_semaphore, #tpu.memory_space<semaphore_mem>>)
        %dma_wait3A = arith.constant 78 : i32
        %dma_wait3A_34 = arith.constant 0 : i32
        %dma_wait3A_35 = tpu.memref_slice %arg5[%dma_wait3A, %dma_wait3A_34] : memref<79x128xi32, #tpu.memory_space<vmem>> -> memref<1x128xi32, #tpu.memory_space<vmem>>
        %dma_wait3A_36 = arith.constant 0 : i32
        %dma_wait3A_37 = tpu.memref_slice %arg2[%add3A_24, %dma_wait3A_36] : memref<2500x128xi32, #tpu.memory_space<hbm>> -> memref<1x128xi32, #tpu.memory_space<hbm>>
        %dma_wait3A_38 = arith.constant 78 : i32
        %dma_wait3A_39 = arith.constant 0 : i32
        %dma_wait3A_40 = tpu.memref_slice %arg5[%dma_wait3A_38, %dma_wait3A_39] : memref<79x128xi32, #tpu.memory_space<vmem>> -> memref<1x128xi32, #tpu.memory_space<vmem>>
        %dma_wait3A_41 = arith.constant 0 : i32
        %dma_wait3A_42 = tpu.memref_slice %arg2[%add3A_24, %dma_wait3A_41] : memref<2500x128xi32, #tpu.memory_space<hbm>> -> memref<1x128xi32, #tpu.memory_space<hbm>>
        tpu.wait_dma2 semaphore(%run_scoped3A : memref<!tpu.dma_semaphore, #tpu.memory_space<semaphore_mem>>) src(%dma_wait3A_42 : memref<1x128xi32, #tpu.memory_space<hbm>>) dst(%dma_wait3A_40 : memref<1x128xi32, #tpu.memory_space<vmem>>)
        tpu.yield
      }) : () -> ()
    } else {
    }
    %barrier3A = arith.constant 0 : index
    tpu.barrier barrier_id(%barrier3A)
    %scan3A = arith.constant 0 : i32
    %scan3A_18 = arith.constant 0 : i32
    %scan3A_19 = arith.constant 79 : i32
    %scan3A_20 = arith.addi %scan3A_18, %scan3A_19 : i32
    %scan3A_21 = arith.constant 1 : i32
    scf.for %scan3A_23 = %scan3A_18 to %scan3A_20 step %scan3A_21  : i32 {
      %lt3A_24 = arith.cmpi slt, %scan3A_23, %add3A_12 : i32
      %convert_element_type3A_25 = arith.extui %lt3A_24 : i1 to i32
      %cond3A_26 = arith.constant 0 : i32
      %cond3A_27 = arith.cmpi ne, %convert_element_type3A_25, %cond3A_26 : i32
      scf.if %cond3A_27 {
        %add3A_28 = arith.addi %add3A_8, %scan3A_23 : i32
        %mul3A_29 = arith.constant 128 : i32
        %mul3A_30 = arith.muli %add3A_28, %mul3A_29 : i32
        %multiple_of3A_31 = tpu.assume_multiple %mul3A_30, 128 : i32
        "tpu.region"() ({
          %run_scoped3A = tpu.sem_alloc : memref<!tpu.dma_semaphore, #tpu.memory_space<semaphore_mem>>
          %dma_start3A = arith.constant 0 : i32
          %dma_start3A_32 = tpu.memref_slice %arg5[%scan3A_23, %dma_start3A] : memref<79x128xi32, #tpu.memory_space<vmem>> -> memref<1x128xi32, #tpu.memory_space<vmem>>
          %dma_start3A_33 = tpu.memref_squeeze %dma_start3A_32 : memref<1x128xi32, #tpu.memory_space<vmem>> -> memref<128xi32, #tpu.memory_space<vmem>>
          %dma_start3A_34 = arith.constant 0 : i32
          %dma_start3A_35 = arith.constant 0 : i32
          %dma_start3A_36 = tpu.memref_slice %arg7[%dma_start3A_34, %dma_start3A_35] : memref<10000x16xf32, #tpu.memory_space<vmem_shared>> -> memref<10000x16xf32, #tpu.memory_space<vmem_shared>>
          tpu.enqueue_indirect_dma source(%dma_start3A_36 : memref<10000x16xf32, #tpu.memory_space<vmem_shared>>) target(%arg6 : memref<128x16xf32, #tpu.memory_space<vmem>>) offsets(%dma_start3A_33 : memref<128xi32, #tpu.memory_space<vmem>>) semaphore(%run_scoped3A : memref<!tpu.dma_semaphore, #tpu.memory_space<semaphore_mem>>)
          %dma_wait3A = arith.constant 0 : i32
          %dma_wait3A_37 = tpu.memref_slice %arg5[%scan3A_23, %dma_wait3A] : memref<79x128xi32, #tpu.memory_space<vmem>> -> memref<1x128xi32, #tpu.memory_space<vmem>>
          %dma_wait3A_38 = tpu.memref_squeeze %dma_wait3A_37 : memref<1x128xi32, #tpu.memory_space<vmem>> -> memref<128xi32, #tpu.memory_space<vmem>>
          %dma_wait3A_39 = arith.constant 0 : i32
          %dma_wait3A_40 = arith.constant 0 : i32
          %dma_wait3A_41 = tpu.memref_slice %arg7[%dma_wait3A_39, %dma_wait3A_40] : memref<10000x16xf32, #tpu.memory_space<vmem_shared>> -> memref<10000x16xf32, #tpu.memory_space<vmem_shared>>
          tpu.wait_indirect_dma semaphore(%run_scoped3A : memref<!tpu.dma_semaphore, #tpu.memory_space<semaphore_mem>>) src(%dma_wait3A_41 : memref<10000x16xf32, #tpu.memory_space<vmem_shared>>) dst(%arg6 : memref<128x16xf32, #tpu.memory_space<vmem>>)
          tpu.yield
        }) : () -> ()
        "tpu.region"() ({
          %run_scoped3A = tpu.sem_alloc : memref<!tpu.dma_semaphore, #tpu.memory_space<semaphore_mem>>
          %dma_start3A = arith.constant 0 : i32
          %dma_start3A_32 = tpu.memref_slice %arg4[%multiple_of3A_31, %dma_start3A] : memref<320000x16xf32, #tpu.memory_space<hbm>> -> memref<128x16xf32, #tpu.memory_space<hbm>>
          %dma_start3A_33 = arith.constant 0 : i32
          %dma_start3A_34 = tpu.memref_slice %arg4[%multiple_of3A_31, %dma_start3A_33] : memref<320000x16xf32, #tpu.memory_space<hbm>> -> memref<128x16xf32, #tpu.memory_space<hbm>>
          tpu.enqueue_dma source(%arg6 : memref<128x16xf32, #tpu.memory_space<vmem>>) target(%dma_start3A_34 : memref<128x16xf32, #tpu.memory_space<hbm>>) target_semaphore(%run_scoped3A : memref<!tpu.dma_semaphore, #tpu.memory_space<semaphore_mem>>)
          %dma_wait3A = arith.constant 0 : i32
          %dma_wait3A_35 = tpu.memref_slice %arg4[%multiple_of3A_31, %dma_wait3A] : memref<320000x16xf32, #tpu.memory_space<hbm>> -> memref<128x16xf32, #tpu.memory_space<hbm>>
          %dma_wait3A_36 = arith.constant 0 : i32
          %dma_wait3A_37 = tpu.memref_slice %arg4[%multiple_of3A_31, %dma_wait3A_36] : memref<320000x16xf32, #tpu.memory_space<hbm>> -> memref<128x16xf32, #tpu.memory_space<hbm>>
          tpu.wait_dma2 semaphore(%run_scoped3A : memref<!tpu.dma_semaphore, #tpu.memory_space<semaphore_mem>>) src(%arg6 : memref<128x16xf32, #tpu.memory_space<vmem>>) dst(%dma_wait3A_37 : memref<128x16xf32, #tpu.memory_space<hbm>>)
          tpu.yield
        }) : () -> ()
      } else {
      }
    }
    %scan3A_22 = arith.constant 79 : i32
    return
  }
}

module attributes {stable_mosaic.version = 14 : i64} {
  func.func @_dense_block(%arg0: i32, %arg1: memref<2000x16xf32, #tpu.memory_space<vmem>>, %arg2: memref<2000x16xf32, #tpu.memory_space<vmem>>, %arg3: memref<2000x1xf32, #tpu.memory_space<vmem>>, %arg4: memref<16x16xf32, #tpu.memory_space<vmem>>, %arg5: memref<1x16xf32, #tpu.memory_space<vmem>>, %arg6: memref<16x256xbf16, #tpu.memory_space<vmem>>, %arg7: memref<1x256xf32, #tpu.memory_space<vmem>>, %arg8: memref<16x256xbf16, #tpu.memory_space<vmem>>, %arg9: memref<256x16xbf16, #tpu.memory_space<vmem>>, %arg10: memref<2000x16xf32, #tpu.memory_space<vmem>>) attributes {dimension_semantics = [#tpu.dimension_semantics<arbitrary>], iteration_bounds = array<i64: 160>, scalar_prefetch = 0 : i64, scratch_operands = 0 : i64, tpu.core_type = #tpu.core_type<tc>, window_params = [{transform_indices = @transform_0, window_bounds = array<i64: 2000, 16>}, {transform_indices = @transform_1, window_bounds = array<i64: 2000, 16>}, {transform_indices = @transform_2, window_bounds = array<i64: 2000, 1>}, {pipeline_mode = #tpu.pipeline_mode<synchronous>, transform_indices = @transform_3, window_bounds = array<i64: 16, 16>}, {pipeline_mode = #tpu.pipeline_mode<synchronous>, transform_indices = @transform_4, window_bounds = array<i64: 1, 16>}, {pipeline_mode = #tpu.pipeline_mode<synchronous>, transform_indices = @transform_5, window_bounds = array<i64: 16, 256>}, {pipeline_mode = #tpu.pipeline_mode<synchronous>, transform_indices = @transform_6, window_bounds = array<i64: 1, 256>}, {pipeline_mode = #tpu.pipeline_mode<synchronous>, transform_indices = @transform_7, window_bounds = array<i64: 16, 256>}, {pipeline_mode = #tpu.pipeline_mode<synchronous>, transform_indices = @transform_8, window_bounds = array<i64: 256, 16>}, {transform_indices = @transform_9, window_bounds = array<i64: 2000, 16>}]} {
    %get3A = arith.constant 0 : index
    %get3A_0 = arith.constant 0 : index
    %get3A_1 = vector.load %arg1[%get3A, %get3A_0] : memref<2000x16xf32, #tpu.memory_space<vmem>>, vector<2000x16xf32>
    %get3A_2 = arith.constant 0 : index
    %get3A_3 = arith.constant 0 : index
    %get3A_4 = vector.load %arg2[%get3A_2, %get3A_3] : memref<2000x16xf32, #tpu.memory_space<vmem>>, vector<2000x16xf32>
    %get3A_5 = arith.constant 0 : index
    %get3A_6 = arith.constant 0 : index
    %get3A_7 = vector.load %arg4[%get3A_5, %get3A_6] : memref<16x16xf32, #tpu.memory_space<vmem>>, vector<16x16xf32>
    %dot_general3A = arith.constant dense<0.000000e+00> : vector<2000x16xf32>
    %dot_general3A_8 = tpu.matmul %get3A_1, %get3A_7, %dot_general3A {dimension_numbers = #tpu.dot_dimension_numbers<[1], [0], [0], [1], [0, 0, 1, 1], [], []>, transpose_lhs_hint = false} : vector<2000x16xf32>, vector<16x16xf32>, vector<2000x16xf32> -> vector<2000x16xf32>
    %get3A_9 = arith.constant 0 : index
    %get3A_10 = arith.constant 0 : index
    %get3A_11 = vector.load %arg5[%get3A_9, %get3A_10] : memref<1x16xf32, #tpu.memory_space<vmem>>, vector<1x16xf32>
    %add3A = vector.broadcast %get3A_11 : vector<1x16xf32> to vector<2000x16xf32>
    %add3A_12 = arith.addf %dot_general3A_8, %add3A : vector<2000x16xf32>
    %max3A = arith.constant 0.000000e+00 : f32
    %max3A_13 = vector.broadcast %max3A : f32 to vector<2000x16xf32>
    %max3A_14 = arith.maximumf %add3A_12, %max3A_13 : vector<2000x16xf32>
    %convert_element_type3A = arith.truncf %max3A_14 : vector<2000x16xf32> to vector<2000x16xbf16>
    %get3A_15 = arith.constant 0 : index
    %get3A_16 = arith.constant 0 : index
    %get3A_17 = vector.load %arg6[%get3A_15, %get3A_16] : memref<16x256xbf16, #tpu.memory_space<vmem>>, vector<16x256xbf16>
    %dot_general3A_18 = arith.constant dense<0.000000e+00> : vector<2000x256xf32>
    %dot_general3A_19 = tpu.matmul %convert_element_type3A, %get3A_17, %dot_general3A_18 {dimension_numbers = #tpu.dot_dimension_numbers<[1], [0], [0], [1], [0, 0, 1, 1], [], []>, transpose_lhs_hint = false} : vector<2000x16xbf16>, vector<16x256xbf16>, vector<2000x256xf32> -> vector<2000x256xf32>
    %get3A_20 = arith.constant 0 : index
    %get3A_21 = arith.constant 0 : index
    %get3A_22 = vector.load %arg7[%get3A_20, %get3A_21] : memref<1x256xf32, #tpu.memory_space<vmem>>, vector<1x256xf32>
    %add3A_23 = vector.broadcast %get3A_22 : vector<1x256xf32> to vector<2000x256xf32>
    %add3A_24 = arith.addf %dot_general3A_19, %add3A_23 : vector<2000x256xf32>
    %get3A_25 = arith.constant 0 : index
    %get3A_26 = arith.constant 0 : index
    %get3A_27 = vector.load %arg3[%get3A_25, %get3A_26] : memref<2000x1xf32, #tpu.memory_space<vmem>>, vector<2000x1xf32>
    %mul3A = arith.constant 2.500000e-01 : f32
    %mul3A_28 = vector.broadcast %mul3A : f32 to vector<2000x1xf32>
    %mul3A_29 = arith.mulf %mul3A_28, %get3A_27 : vector<2000x1xf32>
    %mul3A_30 = vector.broadcast %mul3A_29 : vector<2000x1xf32> to vector<2000x16xf32>
    %mul3A_31 = arith.mulf %get3A_4, %mul3A_30 : vector<2000x16xf32>
    %convert_element_type3A_32 = arith.truncf %mul3A_31 : vector<2000x16xf32> to vector<2000x16xbf16>
    %get3A_33 = arith.constant 0 : index
    %get3A_34 = arith.constant 0 : index
    %get3A_35 = vector.load %arg8[%get3A_33, %get3A_34] : memref<16x256xbf16, #tpu.memory_space<vmem>>, vector<16x256xbf16>
    %dot_general3A_36 = arith.constant dense<0.000000e+00> : vector<2000x256xf32>
    %dot_general3A_37 = tpu.matmul %convert_element_type3A_32, %get3A_35, %dot_general3A_36 {dimension_numbers = #tpu.dot_dimension_numbers<[1], [0], [0], [1], [0, 0, 1, 1], [], []>, transpose_lhs_hint = false} : vector<2000x16xbf16>, vector<16x256xbf16>, vector<2000x256xf32> -> vector<2000x256xf32>
    %mul3A_38 = arith.mulf %add3A_24, %dot_general3A_37 : vector<2000x256xf32>
    %convert_element_type3A_39 = arith.truncf %mul3A_38 : vector<2000x256xf32> to vector<2000x256xbf16>
    %get3A_40 = arith.constant 0 : index
    %get3A_41 = arith.constant 0 : index
    %get3A_42 = vector.load %arg9[%get3A_40, %get3A_41] : memref<256x16xbf16, #tpu.memory_space<vmem>>, vector<256x16xbf16>
    %dot_general3A_43 = arith.constant dense<0.000000e+00> : vector<2000x16xf32>
    %dot_general3A_44 = tpu.matmul %convert_element_type3A_39, %get3A_42, %dot_general3A_43 {dimension_numbers = #tpu.dot_dimension_numbers<[1], [0], [0], [1], [0, 0, 1, 1], [], []>, transpose_lhs_hint = false} : vector<2000x256xbf16>, vector<256x16xbf16>, vector<2000x16xf32> -> vector<2000x16xf32>
    %swap3A = arith.constant 0 : index
    %swap3A_45 = arith.constant 0 : index
    %swap3A_46 = vector.load %arg10[%swap3A, %swap3A_45] : memref<2000x16xf32, #tpu.memory_space<vmem>>, vector<2000x16xf32>
    tpu.vector_store %arg10[%swap3A, %swap3A_45], %dot_general3A_44 {strides = array<i32>} : memref<2000x16xf32, #tpu.memory_space<vmem>>, vector<2000x16xf32>,
    return
  }
  func.func @transform_0(%arg0: i32) -> (i32, i32) {
    %c0_i32 = arith.constant 0 : i32
    %c0_i32_0 = arith.constant 0 : i32
    return %arg0, %c0_i32 : i32, i32
  }
  func.func @transform_1(%arg0: i32) -> (i32, i32) {
    %c0_i32 = arith.constant 0 : i32
    %c0_i32_0 = arith.constant 0 : i32
    return %arg0, %c0_i32 : i32, i32
  }
  func.func @transform_2(%arg0: i32) -> (i32, i32) {
    %c0_i32 = arith.constant 0 : i32
    %c0_i32_0 = arith.constant 0 : i32
    return %arg0, %c0_i32 : i32, i32
  }
  func.func @transform_3(%arg0: i32) -> (i32, i32) {
    %c0_i32 = arith.constant 0 : i32
    %c0_i32_0 = arith.constant 0 : i32
    %c0_i32_1 = arith.constant 0 : i32
    return %c0_i32, %c0_i32_0 : i32, i32
  }
  func.func @transform_4(%arg0: i32) -> (i32, i32) {
    %c0_i32 = arith.constant 0 : i32
    %c0_i32_0 = arith.constant 0 : i32
    %c0_i32_1 = arith.constant 0 : i32
    return %c0_i32, %c0_i32_0 : i32, i32
  }
  func.func @transform_5(%arg0: i32) -> (i32, i32) {
    %c0_i32 = arith.constant 0 : i32
    %c0_i32_0 = arith.constant 0 : i32
    %c0_i32_1 = arith.constant 0 : i32
    return %c0_i32, %c0_i32_0 : i32, i32
  }
  func.func @transform_6(%arg0: i32) -> (i32, i32) {
    %c0_i32 = arith.constant 0 : i32
    %c0_i32_0 = arith.constant 0 : i32
    %c0_i32_1 = arith.constant 0 : i32
    return %c0_i32, %c0_i32_0 : i32, i32
  }
  func.func @transform_7(%arg0: i32) -> (i32, i32) {
    %c0_i32 = arith.constant 0 : i32
    %c0_i32_0 = arith.constant 0 : i32
    %c0_i32_1 = arith.constant 0 : i32
    return %c0_i32, %c0_i32_0 : i32, i32
  }
  func.func @transform_8(%arg0: i32) -> (i32, i32) {
    %c0_i32 = arith.constant 0 : i32
    %c0_i32_0 = arith.constant 0 : i32
    %c0_i32_1 = arith.constant 0 : i32
    return %c0_i32, %c0_i32_0 : i32, i32
  }
  func.func @transform_9(%arg0: i32) -> (i32, i32) {
    %c0_i32 = arith.constant 0 : i32
    %c0_i32_0 = arith.constant 0 : i32
    return %arg0, %c0_i32 : i32, i32
  }
}

module attributes {stable_mosaic.version = 14 : i64} {
  func.func @_finish_block(%arg0: memref<10000x16xf32, #tpu.memory_space<vmem>>, %arg1: memref<10000x16xf32, #tpu.memory_space<vmem>>, %arg2: memref<10000x16xf32, #tpu.memory_space<vmem>>, %arg3: memref<10000x16xf32, #tpu.memory_space<vmem>>, %arg4: memref<10000x16xf32, #tpu.memory_space<vmem>>, %arg5: memref<1x16xf32, #tpu.memory_space<vmem>>, %arg6: memref<1x16xf32, #tpu.memory_space<vmem>>, %arg7: memref<10000x16xf32, #tpu.memory_space<vmem>>) attributes {dimension_semantics = [], scalar_prefetch = 0 : i64, scratch_operands = 0 : i64, tpu.core_type = #tpu.core_type<tc>} {
    %get3A = arith.constant 0 : index
    %get3A_0 = arith.constant 0 : index
    %get3A_1 = vector.load %arg0[%get3A, %get3A_0] : memref<10000x16xf32, #tpu.memory_space<vmem>>, vector<10000x16xf32>
    %get3A_2 = arith.constant 0 : index
    %get3A_3 = arith.constant 0 : index
    %get3A_4 = vector.load %arg1[%get3A_2, %get3A_3] : memref<10000x16xf32, #tpu.memory_space<vmem>>, vector<10000x16xf32>
    %add3A = arith.addf %get3A_1, %get3A_4 : vector<10000x16xf32>
    %get3A_5 = arith.constant 0 : index
    %get3A_6 = arith.constant 0 : index
    %get3A_7 = vector.load %arg2[%get3A_5, %get3A_6] : memref<10000x16xf32, #tpu.memory_space<vmem>>, vector<10000x16xf32>
    %get3A_8 = arith.constant 0 : index
    %get3A_9 = arith.constant 0 : index
    %get3A_10 = vector.load %arg3[%get3A_8, %get3A_9] : memref<10000x16xf32, #tpu.memory_space<vmem>>, vector<10000x16xf32>
    %add3A_11 = arith.addf %get3A_7, %get3A_10 : vector<10000x16xf32>
    %max3A = arith.constant 1.000000e+00 : f32
    %max3A_12 = vector.broadcast %max3A : f32 to vector<10000x16xf32>
    %max3A_13 = arith.maximumf %add3A_11, %max3A_12 : vector<10000x16xf32>
    %div3A = arith.divf %add3A, %max3A_13 : vector<10000x16xf32>
    %get3A_14 = arith.constant 0 : index
    %get3A_15 = arith.constant 0 : index
    %get3A_16 = vector.load %arg4[%get3A_14, %get3A_15] : memref<10000x16xf32, #tpu.memory_space<vmem>>, vector<10000x16xf32>
    %add3A_17 = arith.addf %div3A, %get3A_16 : vector<10000x16xf32>
    %reduce_sum3A = arith.constant dense<0.000000e+00> : vector<16xf32>
    %reduce_sum3A_18 = vector.multi_reduction <add>, %add3A_17, %reduce_sum3A [0] : vector<10000x16xf32> to vector<16xf32>
    %broadcast_in_dim3A = vector.shape_cast %reduce_sum3A_18 : vector<16xf32> to vector<1x16xf32>
    %div3A_19 = arith.constant 1.000000e+04 : f32
    %div3A_20 = vector.broadcast %div3A_19 : f32 to vector<1x16xf32>
    %div3A_21 = arith.divf %broadcast_in_dim3A, %div3A_20 : vector<1x16xf32>
    %sub3A = vector.broadcast %div3A_21 : vector<1x16xf32> to vector<10000x16xf32>
    %sub3A_22 = arith.subf %add3A_17, %sub3A : vector<10000x16xf32>
    %mul3A = arith.mulf %sub3A_22, %sub3A_22 : vector<10000x16xf32>
    %reduce_sum3A_23 = arith.constant dense<0.000000e+00> : vector<16xf32>
    %reduce_sum3A_24 = vector.multi_reduction <add>, %mul3A, %reduce_sum3A_23 [0] : vector<10000x16xf32> to vector<16xf32>
    %broadcast_in_dim3A_25 = vector.shape_cast %reduce_sum3A_24 : vector<16xf32> to vector<1x16xf32>
    %div3A_26 = arith.constant 1.000000e+04 : f32
    %div3A_27 = vector.broadcast %div3A_26 : f32 to vector<1x16xf32>
    %div3A_28 = arith.divf %broadcast_in_dim3A_25, %div3A_27 : vector<1x16xf32>
    %add3A_29 = arith.constant 9.99999974E-6 : f32
    %add3A_30 = vector.broadcast %add3A_29 : f32 to vector<1x16xf32>
    %add3A_31 = arith.addf %div3A_28, %add3A_30 : vector<1x16xf32>
    %rsqrt3A = math.rsqrt %add3A_31 : vector<1x16xf32>
    %mul3A_32 = vector.broadcast %rsqrt3A : vector<1x16xf32> to vector<10000x16xf32>
    %mul3A_33 = arith.mulf %sub3A_22, %mul3A_32 : vector<10000x16xf32>
    %get3A_34 = arith.constant 0 : index
    %get3A_35 = arith.constant 0 : index
    %get3A_36 = vector.load %arg5[%get3A_34, %get3A_35] : memref<1x16xf32, #tpu.memory_space<vmem>>, vector<1x16xf32>
    %mul3A_37 = vector.broadcast %get3A_36 : vector<1x16xf32> to vector<10000x16xf32>
    %mul3A_38 = arith.mulf %mul3A_33, %mul3A_37 : vector<10000x16xf32>
    %get3A_39 = arith.constant 0 : index
    %get3A_40 = arith.constant 0 : index
    %get3A_41 = vector.load %arg6[%get3A_39, %get3A_40] : memref<1x16xf32, #tpu.memory_space<vmem>>, vector<1x16xf32>
    %add3A_42 = vector.broadcast %get3A_41 : vector<1x16xf32> to vector<10000x16xf32>
    %add3A_43 = arith.addf %mul3A_38, %add3A_42 : vector<10000x16xf32>
    %swap3A = arith.constant 0 : index
    %swap3A_44 = arith.constant 0 : index
    %swap3A_45 = vector.load %arg7[%swap3A, %swap3A_44] : memref<10000x16xf32, #tpu.memory_space<vmem>>, vector<10000x16xf32>
    tpu.vector_store %arg7[%swap3A, %swap3A_44], %add3A_43 {strides = array<i32>} : memref<10000x16xf32, #tpu.memory_space<vmem>>, vector<10000x16xf32>,
    return
  }
}

</mosaic_0001>

<sc_bundles>
// kernel: kernel.6.cloned.1.call-start
scs
__scs_entry_jumppad:
0x0: {  	(pc) =	sbr.rel $0x88, $3  }
0x1: {  	(tag) =	ssettag $0x0;
	lr =	simm.s32 $0x1  }
0x2: {  	[smem:$0x3F97] =	sst lr;
	_ =	strace $0xD0000000  }
0x3: {  	_ = 	snop  }
0x4: {  	_ = 	snop  }
0x5: {  	_ = 	snop  }
0x6: {  	_ = 	snop  }
0x7: {  	_ = 	snop  }
__scs_overlays_trampoline_lowered:
0x8: {  	[smem:$0x3FA6] =	sst s0  }
0x9: {  	[smem:$0x3FA7] =	sst s1  }
0xa: {  	[smem:$0x3FA8] =	sst s2  }
0xb: {  	[smem:$0x3FA9] =	sst s3  }
0xc: {  	[smem:$0x3FAA] =	sst s4  }
0xd: {  	[smem:$0x3FAB] =	sst s5  }
0xe: {  	[smem:$0x3FAC] =	sst s6  }
0xf: {  	[smem:$0x3FAD] =	sst s7  }
0x10: {  	[smem:$0x3FAE] =	sst s8  }
0x11: {  	[smem:$0x3FAF] =	sst s9;
	s0 =	simm.s32 @!p0 $0x0  }
0x12: {  	s1 =	sld [smem:$0x3F95];
	s0 =	simm.s32 @p0 $0x1  }
0x13: {  	[smem:$0x3FB0] =	sst s0;
	s0 =	simm.s32 @!p1 $0x0  }
0x14: {  	s2 =	sld [smem:$0x3F94];
	s0 =	simm.s32 @p1 $0x1  }
0x15: {  	[smem:$0x3FB1] =	sst s0;
	s0 =	simm.s32 @!p2 $0x0  }
0x16: {  	s3 =	sld [smem:$0x3FDB];
	s0 =	simm.s32 @p2 $0x1  }
0x17: {  	s4 =	simm.s32 $0x1BF5;
	[smem:$0x3FB3] =	sst s0  }
0x18: {  	s0 =	sld [smem:$0x3F96];
	_ =	swait.ge [sflag:s4], $0x0  }
0x19: {  	s7 =	sld [smem:$0x3F97]  }
0x1a: {  	s8 =	sadd.s32 $0xFFFFE003, lr  }
0x1b: {  	s9 =	sadd.s32 $0xFFFFFEF7, lr;
	s5 =	simm.s32 $0xFFFFFFFF;
	p2 =	slt.u32 s8, $0xFFFFF086  }
0x1c: {  	p1 =	slt.u32 s9, $0xF7A;
	s5 =	simm.s32 @!p2 $0x0  }
0x1d: {  	s5 =	simm.s32 @p1 $0x1;
	p0 =	seq.s32 s7, s2  }
0x1e: {  	s7 =	smul.u32 @!p0 $0xF7A, s2;
	p2 =	seq.s32 @!p0 s5, $0x0  }
0x1f: {  	s9 =	smul.u32 $0xF7A, s1;
	s8 =	simm.s32 @!p0 $0x1BF5;
	p2 =	por !p2, p0  }
0x20: {  	[sflag:s8] =	ssyncset.s32 @!p0 $0xFFFFF086;
	s6 =	sadd.s32 @!p0 s3, s7;
	s7 =	simm.s32 @!p0 $0x108  }
0x21: {  	s3 =	sadd.s32 s3, s9;
	s6 =	sadd.s32 @!p0 $0x88, s6;
	s7 =	simm.s32 @p2 $0x1082  }
0x22: {  	[simem:s7], [sflag:s8] =	dma.local @!p0 [hbm:s6], $0xF7A  }
0x23: {  	s9 =	sor.u32 $0xD0000000, s2;
	s6 =	simm.s32 $0x108;
	_ =	swait.ge @!p0 [sflag:s8], $0x0  }
0x24: {  	s3 =	sadd.s32 $0x88, s3;
	s6 =	simm.s32 @!p1 $0x1082;
	[sflag:s4] =	ssyncset.s32 $0xFFFFF086  }
0x25: {  	[simem:s6], [sflag:s4] =	dma.local [hbm:s3], $0xF7A  }
0x26: {  	[smem:$0x3F97] =	sst s1;
	(tag) =	ssettag s2;
	_ =	strace s9  }
0x27: {  	s1 =	sld [smem:$0x3FA7]  }
0x28: {  	s2 =	sld [smem:$0x3FA8]  }
0x29: {  	s4 =	sld [smem:$0x3FAA]  }
0x2a: {  	p0 =	seq.s32 s5, $0x0;
	s5 =	sld [smem:$0x3FAB]  }
0x2b: {  	s6 =	sld [smem:$0x3FAC]  }
0x2c: {  	s7 =	sld [smem:$0x3FAD]  }
0x2d: {  	s3 =	simm.s32 $0x108;
	s8 =	sld [smem:$0x3FAE]  }
0x2e: {  	s3 =	simm.s32 @!p0 $0x1082;
	s9 =	sld [smem:$0x3FAF]  }
0x2f: {  	lr =	sadd.s32 s0, s3;
	s0 =	sld [smem:$0x3FA6]  }
0x30: {  	s3 =	sld [smem:$0x3FA9]  }
0x31: {  	[smem:$0x3FB2] =	sst s10  }
0x32: {  	s10 =	sld [smem:$0x3FB0];
	_ =	sdelay $0x3  }
0x33: {  	p0 =	seq.s32 s10, $0x1;
	s10 =	sld [smem:$0x3FB2];
	_ =	sdelay $0x3  }
0x34: {  	[smem:$0x3FB2] =	sst s10  }
0x35: {  	s10 =	sld [smem:$0x3FB1];
	_ =	sdelay $0x3  }
0x36: {  	p1 =	seq.s32 s10, $0x1;
	s10 =	sld [smem:$0x3FB2];
	_ =	sdelay $0x3  }
0x37: {  	[smem:$0x3FB2] =	sst s10  }
0x38: {  	s10 =	sld [smem:$0x3FB3]  }
0x39: {  	_ = 	snop;
	(pc) =	sbr.ind lr, $3  }
0x3a: {  	_ = 	snop  }
0x3b: {  	_ = 	snop  }
0x3c: {  	p2 =	seq.s32 s10, $0x1;
	s10 =	sld [smem:$0x3FB2]  }
0x3d: {  	_ =	shalt  }
0x3e: {  	_ =	shalt  }
0x3f: {  	_ =	shalt  }
0x40: {  	_ =	shalt  }
0x41: {  	_ =	shalt  }
0x42: {  	_ =	shalt  }
0x43: {  	_ =	shalt  }
0x44: {  	_ =	shalt  }
0x45: {  	_ =	shalt  }
0x46: {  	_ =	shalt  }
0x47: {  	_ =	shalt  }
0x48: {  	_ =	shalt  }
0x49: {  	_ =	shalt  }
0x4a: {  	_ =	shalt  }
0x4b: {  	_ =	shalt  }
0x4c: {  	_ =	shalt  }
0x4d: {  	_ =	shalt  }
0x4e: {  	_ =	shalt  }
0x4f: {  	_ =	shalt  }
0x50: {  	_ =	shalt  }
0x51: {  	_ =	shalt  }
0x52: {  	_ =	shalt  }
0x53: {  	_ =	shalt  }
0x54: {  	_ =	shalt  }
0x55: {  	_ =	shalt  }
0x56: {  	_ =	shalt  }
0x57: {  	_ =	shalt  }
0x58: {  	_ =	shalt  }
0x59: {  	_ =	shalt  }
0x5a: {  	_ =	shalt  }
0x5b: {  	_ =	shalt  }
0x5c: {  	_ =	shalt  }
0x5d: {  	_ =	shalt  }
0x5e: {  	_ =	shalt  }
0x5f: {  	_ =	shalt  }
0x60: {  	_ =	shalt  }
0x61: {  	_ =	shalt  }
0x62: {  	_ =	shalt  }
0x63: {  	_ =	shalt  }
0x64: {  	_ =	shalt  }
0x65: {  	_ =	shalt  }
0x66: {  	_ =	shalt  }
0x67: {  	_ =	shalt  }
0x68: {  	_ =	shalt  }
0x69: {  	_ =	shalt  }
0x6a: {  	_ =	shalt  }
0x6b: {  	_ =	shalt  }
0x6c: {  	_ =	shalt  }
0x6d: {  	_ =	shalt  }
0x6e: {  	_ =	shalt  }
0x6f: {  	_ =	shalt  }
0x70: {  	_ =	shalt  }
0x71: {  	_ =	shalt  }
0x72: {  	_ =	shalt  }
0x73: {  	_ =	shalt  }
0x74: {  	_ =	shalt  }
0x75: {  	_ =	shalt  }
0x76: {  	_ =	shalt  }
0x77: {  	_ =	shalt  }
0x78: {  	_ =	shalt  }
0x79: {  	_ =	shalt  }
0x7a: {  	_ =	shalt  }
0x7b: {  	_ =	shalt  }
0x7c: {  	_ =	shalt  }
0x7d: {  	_ =	shalt  }
0x7e: {  	_ =	shalt  }
0x7f: {  	_ =	shalt  }
0x80: {  	_ =	shalt  }
0x81: {  	_ =	shalt  }
0x82: {  	_ =	shalt  }
0x83: {  	_ =	shalt  }
0x84: {  	_ =	shalt  }
0x85: {  	_ =	shalt  }
0x86: {  	_ =	shalt  }
0x87: {  	_ =	shalt  }
.Lfunc_end0:
.L_simem_size_0:
called_computation_lowered:
.L_overlay_start_0:
0x88: {  	s2 =	sld [smem:$0x3FD9]  }
0x89: {  	s3 =	sld [smem:$0x3FFE];
	_ =	sdelay $0x1  }
0x8a: {  	s1 =	srdreg.scid  }
0x8b: {  	s0 =	sand.u32 $0x1, s1  }
0x8c: {  	s17 =	sshll.u32 s0, $0xA;
	s2 =	sadd.s32 s3, s2  }
0x8d: {  	s2 =	sadd.s32 s2, s17  }
0x8e: {  	[smem:$0x3FBE] =	sst s2  }
0x8f: {  	_ = 	snop  }
0x90: {  	s2 =	sld [smem:$0x3FD0];
	(tm) =	ssettm $0x1  }
0x91: {  	s18 =	sld [smem:$0x3FFB];
	_ =	sdelay $0x3  }
0x92: {  	_ =	strace s18  }
0x93: {  	s3 =	sld [smem:$0x3FFC];
	_ =	sdelay $0x3  }
0x94: {  	_ =	strace s3  }
0x95: {  	s3 =	sld [smem:$0x3FFD];
	_ =	sdelay $0x3  }
0x96: {  	_ =	strace s3  }
0x97: {  	_ =	strace $0x8FFFFFFF  }
0x98: {  	s19 =	sld [smem:$0x3FDB];
	_ =	sdelay $0x1  }
0x99: {  	s4 =	simm.s32 $_scs_section_size  }
0x9a: {  	s5 =	simm.s32 $_size__tile_overlayer_lowered;
	s6 =	simm.s32 $_tile_overlayer_lowered  }
0x9b: {  	s22 =	simm.s32 $0x1BFF;
	s21 =	sshll.u32 s6, $0x1;
	s3 =	sadd.s32 s4, s19  }
0x9c: {  	s7 =	simm.s32 $0x0;
	s20 =	sshll.u32 s5, $0x1;
	s5 =	sadd.s32 s21, s3  }
0x9d: {  	[timem:s7], [sflag:s22] =	dma.local [hbm:s5], s20  }
0x9e: {  	_ =	swait.ge [sflag:s22], s20  }
0x9f: {  	s4 =	ssub.s32 $0x0, s20;
	[sflag:s22] =	ssyncset.done $0x0  }
0xa0: {  	[sflag:s22] =	ssyncadd.s32 s4;
	_ =	sdelay $0x1  }
0xa1: {  	s23 =	simm.s32 $0x1B8B  }
0xa2: {  	_ =	swait.ge [sflag:s23], $0x1  }
0xa3: {  	[sflag:s23] =	ssyncset.done $0x0  }
0xa4: {  	s25 =	simm.s32 $0x1B8E;
	s24 =	sld [smem:$0x3FFE];
	[sflag:s23] =	ssyncadd.s32 $0xFFFFFFFF  }
0xa5: {  	s26 =	simm.s32 $execute0_lowered;
	[smem:$0x3FD2] =	sst s25  }
0xa6: {  	s5 =	sshll.u32 s26, $0x1;
	_ =	strace $0x80000046;
	[dreg:$0x1] =	wrdreg $0xFFFFFFFF  }
0xa7: {  	s28 =	simm.s32 $_size_execute0_lowered;
	s3 =	sadd.s32 s3, s5;
	[dreg:$0x0] =	wrdreg $0x0  }
0xa8: {  	s5 =	sshll.u32 s28, $0x1;
	[dreg:$0x2] =	wrdreg s3  }
0xa9: {  	[dreg:$0x3] =	wrdreg s5  }
0xaa: {  	[dreg:$0x4] =	wrdreg $0xC0  }
0xab: {  	_ =	task [dreg:s7], $0x5FFFF  }
0xac: {  	[dreg:$0x1] =	wrdreg $0xFFFFFFFF  }
0xad: {  	[dreg:$0x0] =	wrdreg $0x60  }
0xae: {  	[dreg:$0x2] =	wrdreg s24  }
0xaf: {  	[dreg:$0x3] =	wrdreg s2  }
0xb0: {  	[dreg:$0x4] =	wrdreg $0x2F800  }
0xb1: {  	[dreg:$0x5] =	wrdreg $0x9  }
0xb2: {  	_ =	task.clear_ibuf [dreg:s7], $0x6FFFF;
	_ =	strace $0x90000046  }
0xb3: {  	s29 =	simm.s32 $0x9;
	_ =	strace $0x80000048  }
0xb4: {  	_ =	swait.ge [sflag:s29], $0x1  }
0xb5: {  	[sflag:s29] =	ssyncadd.s32 $0xFFFFFFFF  }
0xb6: {  	_ =	strace $0x90000048  }
0xb7: {  	_ =	sfence  }
0xb8: {  	s30 =	sld [smem:$0x0];
	_ =	sdelay $0x2  }
0xb9: {  	s31 =	sshll.u32 s1, $0xD;
	s1 =	sshrl.u32 s1, $0x2  }
0xba: {  	s3 =	sand.u32 $0x4000, s31;
	s1 =	sadd.s32 s1, s30  }
0xbb: {  	s0 =	sor.u32 s3, s0;
	s1 =	sshll.u32 s1, $0x11  }
0xbc: {  	s0 =	sor.u32 s1, s0  }
0xbd: {  	s0 =	sadd.s32 $0x8F2B, s0  }
0xbe: {  	[sflag:s0] =	ssyncadd.remote.s32 $0x1  }
0xbf: {  	_ =	sfence.sel $0xFFFF  }
0xc0: {  	[dreg:$0x0] =	wrdreg $0xFFFFFFFF;
	(pc) =	sbr.abs _section_cstart, $3  }
0xc1: {  	[dreg:$0x1] =	wrdreg $0xFFFFFFFF  }
0xc2: {  	_ =	task.clear_ibuf [dreg:s7], $0x2FFFF;
	_ =	strace $0x9FFFFFFF  }
0xc3: {  	(tm) =	ssettm $0x7FFFFFFF  }
tec
execute0_lowered:
.L_overlay_start_1:
0x0: {  	(tag) =	ssettag $0x1  }
0x1: {  	s6 =	rddreg [dreg:$0x0]  }
0x2: {  	s1 =	srdreg.scid;
	s8 =	rddreg [dreg:$0x1]  }
0x3: {  	s0 =	stileid.u32;
	s2 =	rddreg [dreg:$0x2]  }
0x4: {  	s3 =	simm.s32 $0x0;
	s15 =	simm.s32 $0x0;
	s4 =	sand.u32 $0x1, s1  }
0x5: {  	s25 =	sshll.u32 s0, $0x1;
	s9 =	smul.u32 $0x9C, s0;
	s1 =	rddreg [dreg:$0x3]  }
0x6: {  	[smem:$0x7FF] =	sst s3;
	s26 =	smul.u32 $0x2700, s0;
	s31 =	sshll.u32 s0, $0x6  }
0x7: {  	s14 =	sadd.s32 $0x27000, s2;
	p0 =	slt.u32 s0, $0x2;
	p1 =	sgt.u32 s0, $0x1  }
0x8: {  	s5 =	sor.u32 s4, s25;
	s10 =	smul.u32 $0x4E, s4;
	_ =	strace $0x80000047  }
0x9: {  	s4 =	ssub.s32 $0x2, s4;
	s7 =	smul.u32 $0x4E, s5;
	s5 =	smin.u32 s5, $0x4  }
0xa: {  	s29 =	sshrl.u32 s4, $0x1;
	s30 =	sshrl.u32 s26, $0x3;
	s13 =	sadd.s32 s26, s2  }
0xb: {  	s9 =	sadd.s32 s10, s9;
	s12 =	ssub.s32 s4, s29;
	s4 =	sadd.s32 s8, s30  }
0xc: {  	s7 =	sadd.s32 s5, s7;
	s5 =	sadd.s32 s5, s9;
	s10 =	smax.u32 s12, $0x1  }
0xd: {  	s12 =	sshrl.u32 s13, $0x3;
	s7 =	sshll.u32 s7, $0x4;
	s5 =	sshll.u32 s5, $0x8  }
0xe: {  	s13 =	simm.s32 $0x1;
	s28 =	sadd.s32 s7, s6;
	s11 =	sadd.s32 s5, s6  }
0xf: {  	s5 =	sor.u32 $0x1C01, s31;
	s6 =	simm.s32 $0x4F;
	s7 =	sadd.s32 $0x4E00, s8  }
0x10: {  	s6 =	simm.s32 @!p0 $0x4E;
	s8 =	sadd.s32 $0x2E00, s28;
	p0 =	sne.s32 s0, $0xF  }
0x11: {  	s9 =	sadd.s32 $0x32E0, s28;
	s11 =	sadd.s32 $0x3DC00, s11;
	s14 =	sshrl.u32 @!p0 s14, $0x3  }
.LBB2_1:
0x12: {  	[spmem:s12], [sflag:s5] =	dma.local [hbm:s4], $0x4E0  }
0x13: {  	_ =	swait.ge [sflag:s13], $0x4E0  }
0x14: {  	[sflag:s13] =	ssyncset.done $0x0  }
0x15: {  	s16 =	simm.s32 @!p0 $0x1;
	[sflag:s13] =	ssyncadd.s32 $0xFFFFFB20  }
0x16: {  	[spmem:s14], [sflag:s5] =	dma.local @!p0 [hbm:s7], $0x20  }
0x17: {  	_ =	swait.ge @!p0 [sflag:s16], $0x20  }
0x18: {  	[sflag:s16] =	ssyncset.done @!p0 $0x0  }
0x19: {  	[sflag:s16] =	ssyncadd.s32 @!p0 $0xFFFFFFE0  }
0x1a: {  	[tilespmem:s3], [sflag:$0x1] =	stream.linear.gather [hbm4b:s8+s3], $0x2700, $0x38;
	[tilespmem:$0x5690] =	vst v63  }
0x1b: {  	_ =	swait.ge [sflag:s13], $0x2700  }
0x1c: {  	[sflag:s13] =	ssyncset.done $0x0  }
0x1d: {  	s17 =	simm.s32 @!p1 $0x2700;
	s16 =	simm.s32 @!p1 $0x0;
	[sflag:s13] =	ssyncadd.s32 $0xFFFFD900  }
0x1e: {  	[tilespmem:s17], [sflag:$0x1] =	stream.linear.gather @!p1 [hbm4b:s9+s16], $0x80, $0x38;
	[tilespmem:$0x5690] =	vst v63  }
0x1f: {  	s16 =	simm.s32 @!p1 $0x1  }
0x20: {  	_ =	swait.ge @!p1 [sflag:s16], $0x80  }
0x21: {  	p2 =	sle.u32 s6, $0x0;
	[sflag:s16] =	ssyncset.done @!p1 $0x0  }
0x22: {  	s18 =	simm.s32 @!p2 $0x2;
	[sflag:s16] =	ssyncadd.s32 @!p1 $0xFFFFFF80  }
0x23: {  	s17 =	simm.s32 @!p2 $0x2780;
	s16 =	simm.s32 @!p2 $0x80;
	[bflag:$0x0] =	sbarrier.arrive $0xFFFF  }
0x24: {  	[tilespmem:s17], [sflag:$0x2] =	stream.indirect.gather @!p2 [spmem:s2], $0x10, s3, s16, $0xb8;
	[tilespmem:$0x5690] =	vst v63  }
0x25: {  	_ =	swait.ge @!p2 [sflag:s18], $0x800  }
0x26: {  	[sflag:s18] =	ssyncset.done @!p2 $0x0;
	p2 =	por p2, p2  }
0x27: {  	p3 =	sle.u32 s6, $0x1;
	[sflag:s18] =	ssyncadd.s32 @!p2 $0xFFFFF800  }
0x28: {  	s16 =	simm.s32 @!p2 $0x0;
	s18 =	simm.s32 $0x2;
	s19 =	simm.s32 @!p2 $0x1  }
0x29: {  	[hbm4b:s11+s16] =	stream.linear.scatter @!p2 [tilespmem:s17], [sflag:$0x1], $0x800, $0x38;
	[tilespmem:$0x5690] =	vst v63  }
0x2a: {  	s16 =	sadd.s32 $0x100, s11;
	s17 =	simm.s32 $0x80;
	_ =	swait.ge @!p2 [sflag:s19], $0x800  }
.LBB2_2:
0x2b: {  	s20 =	simm.s32 @!p3 $0x80;
	s21 =	simm.s32 @!p3 $0x2780;
	[sflag:s19] =	ssyncset.done @!p2 $0x0  }
0x2c: {  	s22 =	smov.u32 s18;
	s23 =	smov.u32 s16;
	s18 =	sadd.s32 $0x1, s18  }
0x2d: {  	s24 =	simm.s32 @!p3 $0x2;
	[sflag:s19] =	ssyncadd.s32 @!p2 $0xFFFFF800;
	p4 =	sne.s32 s18, $0x4F  }
0x2e: {  	[tilespmem:s21], [sflag:$0x2] =	stream.indirect.gather @!p3 [spmem:s2], $0x10, s17, s20, $0xb8;
	[tilespmem:$0x5690] =	vst v63  }
.Ltmp0:
0x2f: {  	_ =	swait.ge @!p3 [sflag:s24], $0x800;
	(pc) =	sbr.rel @p4 .LBB2_2-.Ltmp0, $4  }
0x30: {  	s16 =	sadd.s32 $0x100, s16;
	p2 =	por p3, p3;
	[sflag:s24] =	ssyncset.done @!p3 $0x0  }
0x31: {  	s20 =	simm.s32 @!p2 $0x0;
	s19 =	simm.s32 @!p2 $0x1;
	[sflag:s24] =	ssyncadd.s32 @!p2 $0xFFFFF800  }
0x32: {  	[hbm4b:s23+s20] =	stream.linear.scatter @!p2 [tilespmem:s21], [sflag:$0x1], $0x800, $0x38;
	[tilespmem:$0x5690] =	vst v63  }
0x33: {  	s17 =	sadd.s32 $0x80, s17;
	p3 =	sge.u32 s22, s6;
	_ =	swait.ge @!p2 [sflag:s19], $0x800  }
0x34: {  	s18 =	simm.s32 @!p3 $0x80;
	[sflag:s19] =	ssyncset.done @!p2 $0x0  }
0x35: {  	s20 =	simm.s32 @!p3 $0x2780;
	s21 =	simm.s32 @!p3 $0x2;
	[sflag:s19] =	ssyncadd.s32 @!p2 $0xFFFFF800  }
0x36: {  	[tilespmem:s20], [sflag:$0x2] =	stream.indirect.gather @!p3 [spmem:s2], $0x10, s17, s18, $0xb8;
	[tilespmem:$0x5690] =	vst v63  }
0x37: {  	s15 =	sadd.s32 $0x1, s15;
	p2 =	por p3, p3;
	_ =	swait.ge @!p3 [sflag:s21], $0x800  }
0x38: {  	s17 =	simm.s32 @!p2 $0x0;
	[sflag:s21] =	ssyncset.done @!p3 $0x0;
	p3 =	sne.s32 s15, s10  }
.Ltmp1:
0x39: {  	s18 =	simm.s32 @!p2 $0x1;
	[sflag:s21] =	ssyncadd.s32 @!p2 $0xFFFFF800;
	(pc) =	sbr.rel @p3 .LBB2_1-.Ltmp1, $4  }
0x3a: {  	[hbm4b:s16+s17] =	stream.linear.scatter @!p2 [tilespmem:s20], [sflag:$0x1], $0x800, $0x38;
	[tilespmem:$0x5690] =	vst v63  }
0x3b: {  	_ =	swait.ge @!p2 [sflag:s18], $0x800  }
0x3c: {  	[sflag:s18] =	ssyncset.done @!p2 $0x0  }
0x3d: {  	[sflag:s18] =	ssyncadd.s32 @!p2 $0xFFFFF800  }
0x3e: {  	_ =	sfence.sel $0x180000  }
0x3f: {  	[bflag:$0x0] =	sbarrier.arrive $0xFFFF  }
0x40: {  	p0 =	sne.s32 s0, $0x0;
	_ =	strace $0x90000047  }
0x41: {  	s0 =	sadd.s32 @!p0 $0x100000, s1;
	[bflag:$0x2] =	sbarrier.arrive $0xFFFF  }
0x42: {  	[sflag:s0] =	ssyncadd.tile.s32 @!p0 $0x1;
	_ =	shalt  }
.Lfunc_end2:
_tile_overlayer_lowered:
.L_overlay_start_2:
0x43: {  	(tag) =	ssettag $0x2  }
0x44: {  	s0 =	rddreg [dreg:$0x0];
	s2 =	stileid.u32  }
0x45: {  	s1 =	rddreg [dreg:$0x1];
	p0 =	sne.s32 s2, $0x0  }
0x46: {  	s3 =	rddreg [dreg:$0x2];
	[bflag:$0x3] =	sbarrier.arrive $0xFFFF;
	s2 =	simm.s32 @!p0 $0x1C01  }
0x47: {  	[timem:s3], [sflag:s2] =	dma.local @!p0 [hbm:s0], s1  }
0x48: {  	s0 =	simm.s32 @!p0 $0x1  }
0x49: {  	_ =	swait.ge @!p0 [sflag:s0], s1  }
0x4a: {  	s1 =	ssub.s32 @!p0 $0x0, s1;
	[sflag:s0] =	ssyncset.done @!p0 $0x0  }
0x4b: {  	[sflag:s0] =	ssyncadd.s32 @!p0 s1  }
0x4c: {  	[bflag:$0x3] =	sbarrier.arrive $0xFFFF  }
0x4d: {  	_ =	shalt  }

// kernel: kernel.9.cloned.1.call-start
scs
__scs_entry_jumppad:
0x0: {  	(pc) =	sbr.rel $0x88, $3  }
0x1: {  	(tag) =	ssettag $0x0;
	lr =	simm.s32 $0x1  }
0x2: {  	[smem:$0x3F97] =	sst lr;
	_ =	strace $0xD0000000  }
0x3: {  	_ = 	snop  }
0x4: {  	_ = 	snop  }
0x5: {  	_ = 	snop  }
0x6: {  	_ = 	snop  }
0x7: {  	_ = 	snop  }
__scs_overlays_trampoline_lowered:
0x8: {  	[smem:$0x3FA6] =	sst s0  }
0x9: {  	[smem:$0x3FA7] =	sst s1  }
0xa: {  	[smem:$0x3FA8] =	sst s2  }
0xb: {  	[smem:$0x3FA9] =	sst s3  }
0xc: {  	[smem:$0x3FAA] =	sst s4  }
0xd: {  	[smem:$0x3FAB] =	sst s5  }
0xe: {  	[smem:$0x3FAC] =	sst s6  }
0xf: {  	[smem:$0x3FAD] =	sst s7  }
0x10: {  	[smem:$0x3FAE] =	sst s8  }
0x11: {  	[smem:$0x3FAF] =	sst s9;
	s0 =	simm.s32 @!p0 $0x0  }
0x12: {  	s1 =	sld [smem:$0x3F95];
	s0 =	simm.s32 @p0 $0x1  }
0x13: {  	[smem:$0x3FB0] =	sst s0;
	s0 =	simm.s32 @!p1 $0x0  }
0x14: {  	s2 =	sld [smem:$0x3F94];
	s0 =	simm.s32 @p1 $0x1  }
0x15: {  	[smem:$0x3FB1] =	sst s0;
	s0 =	simm.s32 @!p2 $0x0  }
0x16: {  	s3 =	sld [smem:$0x3FDB];
	s0 =	simm.s32 @p2 $0x1  }
0x17: {  	s4 =	simm.s32 $0x1BF5;
	[smem:$0x3FB3] =	sst s0  }
0x18: {  	s0 =	sld [smem:$0x3F96];
	_ =	swait.ge [sflag:s4], $0x0  }
0x19: {  	s7 =	sld [smem:$0x3F97]  }
0x1a: {  	s8 =	sadd.s32 $0xFFFFE003, lr  }
0x1b: {  	s9 =	sadd.s32 $0xFFFFFEF7, lr;
	s5 =	simm.s32 $0xFFFFFFFF;
	p2 =	slt.u32 s8, $0xFFFFF086  }
0x1c: {  	p1 =	slt.u32 s9, $0xF7A;
	s5 =	simm.s32 @!p2 $0x0  }
0x1d: {  	s5 =	simm.s32 @p1 $0x1;
	p0 =	seq.s32 s7, s2  }
0x1e: {  	s7 =	smul.u32 @!p0 $0xF7A, s2;
	p2 =	seq.s32 @!p0 s5, $0x0  }
0x1f: {  	s9 =	smul.u32 $0xF7A, s1;
	s8 =	simm.s32 @!p0 $0x1BF5;
	p2 =	por !p2, p0  }
0x20: {  	[sflag:s8] =	ssyncset.s32 @!p0 $0xFFFFF086;
	s6 =	sadd.s32 @!p0 s3, s7;
	s7 =	simm.s32 @!p0 $0x108  }
0x21: {  	s3 =	sadd.s32 s3, s9;
	s6 =	sadd.s32 @!p0 $0x88, s6;
	s7 =	simm.s32 @p2 $0x1082  }
0x22: {  	[simem:s7], [sflag:s8] =	dma.local @!p0 [hbm:s6], $0xF7A  }
0x23: {  	s9 =	sor.u32 $0xD0000000, s2;
	s6 =	simm.s32 $0x108;
	_ =	swait.ge @!p0 [sflag:s8], $0x0  }
0x24: {  	s3 =	sadd.s32 $0x88, s3;
	s6 =	simm.s32 @!p1 $0x1082;
	[sflag:s4] =	ssyncset.s32 $0xFFFFF086  }
0x25: {  	[simem:s6], [sflag:s4] =	dma.local [hbm:s3], $0xF7A  }
0x26: {  	[smem:$0x3F97] =	sst s1;
	(tag) =	ssettag s2;
	_ =	strace s9  }
0x27: {  	s1 =	sld [smem:$0x3FA7]  }
0x28: {  	s2 =	sld [smem:$0x3FA8]  }
0x29: {  	s4 =	sld [smem:$0x3FAA]  }
0x2a: {  	p0 =	seq.s32 s5, $0x0;
	s5 =	sld [smem:$0x3FAB]  }
0x2b: {  	s6 =	sld [smem:$0x3FAC]  }
0x2c: {  	s7 =	sld [smem:$0x3FAD]  }
0x2d: {  	s3 =	simm.s32 $0x108;
	s8 =	sld [smem:$0x3FAE]  }
0x2e: {  	s3 =	simm.s32 @!p0 $0x1082;
	s9 =	sld [smem:$0x3FAF]  }
0x2f: {  	lr =	sadd.s32 s0, s3;
	s0 =	sld [smem:$0x3FA6]  }
0x30: {  	s3 =	sld [smem:$0x3FA9]  }
0x31: {  	[smem:$0x3FB2] =	sst s10  }
0x32: {  	s10 =	sld [smem:$0x3FB0];
	_ =	sdelay $0x3  }
0x33: {  	p0 =	seq.s32 s10, $0x1;
	s10 =	sld [smem:$0x3FB2];
	_ =	sdelay $0x3  }
0x34: {  	[smem:$0x3FB2] =	sst s10  }
0x35: {  	s10 =	sld [smem:$0x3FB1];
	_ =	sdelay $0x3  }
0x36: {  	p1 =	seq.s32 s10, $0x1;
	s10 =	sld [smem:$0x3FB2];
	_ =	sdelay $0x3  }
0x37: {  	[smem:$0x3FB2] =	sst s10  }
0x38: {  	s10 =	sld [smem:$0x3FB3]  }
0x39: {  	_ = 	snop;
	(pc) =	sbr.ind lr, $3  }
0x3a: {  	_ = 	snop  }
0x3b: {  	_ = 	snop  }
0x3c: {  	p2 =	seq.s32 s10, $0x1;
	s10 =	sld [smem:$0x3FB2]  }
0x3d: {  	_ =	shalt  }
0x3e: {  	_ =	shalt  }
0x3f: {  	_ =	shalt  }
0x40: {  	_ =	shalt  }
0x41: {  	_ =	shalt  }
0x42: {  	_ =	shalt  }
0x43: {  	_ =	shalt  }
0x44: {  	_ =	shalt  }
0x45: {  	_ =	shalt  }
0x46: {  	_ =	shalt  }
0x47: {  	_ =	shalt  }
0x48: {  	_ =	shalt  }
0x49: {  	_ =	shalt  }
0x4a: {  	_ =	shalt  }
0x4b: {  	_ =	shalt  }
0x4c: {  	_ =	shalt  }
0x4d: {  	_ =	shalt  }
0x4e: {  	_ =	shalt  }
0x4f: {  	_ =	shalt  }
0x50: {  	_ =	shalt  }
0x51: {  	_ =	shalt  }
0x52: {  	_ =	shalt  }
0x53: {  	_ =	shalt  }
0x54: {  	_ =	shalt  }
0x55: {  	_ =	shalt  }
0x56: {  	_ =	shalt  }
0x57: {  	_ =	shalt  }
0x58: {  	_ =	shalt  }
0x59: {  	_ =	shalt  }
0x5a: {  	_ =	shalt  }
0x5b: {  	_ =	shalt  }
0x5c: {  	_ =	shalt  }
0x5d: {  	_ =	shalt  }
0x5e: {  	_ =	shalt  }
0x5f: {  	_ =	shalt  }
0x60: {  	_ =	shalt  }
0x61: {  	_ =	shalt  }
0x62: {  	_ =	shalt  }
0x63: {  	_ =	shalt  }
0x64: {  	_ =	shalt  }
0x65: {  	_ =	shalt  }
0x66: {  	_ =	shalt  }
0x67: {  	_ =	shalt  }
0x68: {  	_ =	shalt  }
0x69: {  	_ =	shalt  }
0x6a: {  	_ =	shalt  }
0x6b: {  	_ =	shalt  }
0x6c: {  	_ =	shalt  }
0x6d: {  	_ =	shalt  }
0x6e: {  	_ =	shalt  }
0x6f: {  	_ =	shalt  }
0x70: {  	_ =	shalt  }
0x71: {  	_ =	shalt  }
0x72: {  	_ =	shalt  }
0x73: {  	_ =	shalt  }
0x74: {  	_ =	shalt  }
0x75: {  	_ =	shalt  }
0x76: {  	_ =	shalt  }
0x77: {  	_ =	shalt  }
0x78: {  	_ =	shalt  }
0x79: {  	_ =	shalt  }
0x7a: {  	_ =	shalt  }
0x7b: {  	_ =	shalt  }
0x7c: {  	_ =	shalt  }
0x7d: {  	_ =	shalt  }
0x7e: {  	_ =	shalt  }
0x7f: {  	_ =	shalt  }
0x80: {  	_ =	shalt  }
0x81: {  	_ =	shalt  }
0x82: {  	_ =	shalt  }
0x83: {  	_ =	shalt  }
0x84: {  	_ =	shalt  }
0x85: {  	_ =	shalt  }
0x86: {  	_ =	shalt  }
0x87: {  	_ =	shalt  }
.Lfunc_end0:
.L_simem_size_0:
called_computation.1_lowered:
.L_overlay_start_0:
0x88: {  	s2 =	sld [smem:$0x3FD9]  }
0x89: {  	s3 =	sld [smem:$0x3FFE];
	_ =	sdelay $0x1  }
0x8a: {  	s1 =	srdreg.scid  }
0x8b: {  	s0 =	sand.u32 $0x1, s1  }
0x8c: {  	s17 =	sshll.u32 s0, $0xA;
	s2 =	sadd.s32 s3, s2  }
0x8d: {  	s2 =	sadd.s32 s2, s17  }
0x8e: {  	[smem:$0x3FBE] =	sst s2  }
0x8f: {  	_ = 	snop  }
0x90: {  	s2 =	sld [smem:$0x3FD0];
	(tm) =	ssettm $0x1  }
0x91: {  	s18 =	sld [smem:$0x3FFB];
	_ =	sdelay $0x3  }
0x92: {  	_ =	strace s18  }
0x93: {  	s3 =	sld [smem:$0x3FFC];
	_ =	sdelay $0x3  }
0x94: {  	_ =	strace s3  }
0x95: {  	s3 =	sld [smem:$0x3FFD];
	_ =	sdelay $0x3  }
0x96: {  	_ =	strace s3  }
0x97: {  	_ =	strace $0x8FFFFFFF  }
0x98: {  	s19 =	sld [smem:$0x3FDB];
	_ =	sdelay $0x1  }
0x99: {  	s4 =	simm.s32 $_scs_section_size  }
0x9a: {  	s5 =	simm.s32 $_size__tile_overlayer_lowered;
	s6 =	simm.s32 $_tile_overlayer_lowered  }
0x9b: {  	s22 =	simm.s32 $0x1BFF;
	s21 =	sshll.u32 s6, $0x1;
	s3 =	sadd.s32 s4, s19  }
0x9c: {  	s7 =	simm.s32 $0x0;
	s20 =	sshll.u32 s5, $0x1;
	s5 =	sadd.s32 s21, s3  }
0x9d: {  	[timem:s7], [sflag:s22] =	dma.local [hbm:s5], s20  }
0x9e: {  	_ =	swait.ge [sflag:s22], s20  }
0x9f: {  	s4 =	ssub.s32 $0x0, s20;
	[sflag:s22] =	ssyncset.done $0x0  }
0xa0: {  	[sflag:s22] =	ssyncadd.s32 s4;
	_ =	sdelay $0x1  }
0xa1: {  	s23 =	simm.s32 $0x1B8B  }
0xa2: {  	_ =	swait.ge [sflag:s23], $0x1  }
0xa3: {  	[sflag:s23] =	ssyncset.done $0x0  }
0xa4: {  	s25 =	simm.s32 $0x1B8E;
	s24 =	sld [smem:$0x3FFE];
	[sflag:s23] =	ssyncadd.s32 $0xFFFFFFFF  }
0xa5: {  	s26 =	simm.s32 $execute0_lowered;
	[smem:$0x3FD2] =	sst s25  }
0xa6: {  	s5 =	sshll.u32 s26, $0x1;
	_ =	strace $0x80000049;
	[dreg:$0x1] =	wrdreg $0xFFFFFFFF  }
0xa7: {  	s28 =	simm.s32 $_size_execute0_lowered;
	s3 =	sadd.s32 s3, s5;
	[dreg:$0x0] =	wrdreg $0x0  }
0xa8: {  	s5 =	sshll.u32 s28, $0x1;
	[dreg:$0x2] =	wrdreg s3  }
0xa9: {  	[dreg:$0x3] =	wrdreg s5  }
0xaa: {  	[dreg:$0x4] =	wrdreg $0xC0  }
0xab: {  	_ =	task [dreg:s7], $0x5FFFF  }
0xac: {  	[dreg:$0x1] =	wrdreg $0xFFFFFFFF  }
0xad: {  	[dreg:$0x0] =	wrdreg $0x60  }
0xae: {  	[dreg:$0x2] =	wrdreg s24  }
0xaf: {  	[dreg:$0x3] =	wrdreg s2  }
0xb0: {  	[dreg:$0x4] =	wrdreg $0x6F800  }
0xb1: {  	[dreg:$0x5] =	wrdreg $0x96900  }
0xb2: {  	[dreg:$0x6] =	wrdreg $0x9  }
0xb3: {  	_ =	task.clear_ibuf [dreg:s7], $0x7FFFF;
	_ =	strace $0x90000049  }
0xb4: {  	s29 =	simm.s32 $0x9;
	_ =	strace $0x8000004B  }
0xb5: {  	_ =	swait.ge [sflag:s29], $0x1  }
0xb6: {  	[sflag:s29] =	ssyncadd.s32 $0xFFFFFFFF  }
0xb7: {  	_ =	strace $0x9000004B  }
0xb8: {  	_ =	sfence  }
0xb9: {  	s30 =	sld [smem:$0x0];
	_ =	sdelay $0x2  }
0xba: {  	s31 =	sshll.u32 s1, $0xD;
	s1 =	sshrl.u32 s1, $0x2  }
0xbb: {  	s3 =	sand.u32 $0x4000, s31;
	s1 =	sadd.s32 s1, s30  }
0xbc: {  	s0 =	sor.u32 s3, s0;
	s1 =	sshll.u32 s1, $0x11  }
0xbd: {  	s0 =	sor.u32 s1, s0  }
0xbe: {  	s0 =	sadd.s32 $0x8F2B, s0  }
0xbf: {  	[sflag:s0] =	ssyncadd.remote.s32 $0x1  }
0xc0: {  	_ =	sfence.sel $0xFFFF  }
0xc1: {  	[dreg:$0x0] =	wrdreg $0xFFFFFFFF;
	(pc) =	sbr.abs _section_cstart, $3  }
0xc2: {  	[dreg:$0x1] =	wrdreg $0xFFFFFFFF  }
0xc3: {  	_ =	task.clear_ibuf [dreg:s7], $0x2FFFF;
	_ =	strace $0x9FFFFFFF  }
0xc4: {  	(tm) =	ssettm $0x7FFFFFFF  }
0xc5: {  	_ =	shalt  }
tec
execute0_lowered:
.L_overlay_start_1:
0x0: {  	(tag) =	ssettag $0x1  }
0x1: {  	s0 =	rddreg [dreg:$0x0]  }
0x2: {  	s1 =	srdreg.scid;
	s5 =	rddreg [dreg:$0x1]  }
0x3: {  	s14 =	stileid.u32;
	s2 =	rddreg [dreg:$0x2];
	s4 =	simm.s32 $0x0  }
0x4: {  	s28 =	simm.s32 $0x3780;
	s29 =	simm.s32 $0x3F80;
	s30 =	simm.s32 $0x4780  }
0x5: {  	s31 =	simm.s32 $0x4F80;
	s1 =	sand.u32 $0x1, s1;
	s3 =	sshll.u32 s14, $0x1  }
0x6: {  	[smem:$0x7FF] =	sst s4;
	s10 =	sadd.s32 $0x3DC00, s0;
	s11 =	smul.u32 $0x2700, s14  }
0x7: {  	s8 =	sadd.s32 $0x2E00, s0;
	s12 =	smul.u32 $0x9C, s14;
	p0 =	slt.u32 s14, $0x2  }
0x8: {  	p1 =	sgt.u32 s14, $0x1;
	s6 =	sor.u32 s1, s3;
	s15 =	smul.u32 $0x4E20, s1  }
0x9: {  	s3 =	rddreg [dreg:$0x3];
	s16 =	ssub.s32 $0x2, s1;
	s1 =	smul.u32 $0x4E, s1  }
0xa: {  	_ =	strace $0x8000004A;
	[dreg:$0x5] =	wrdreg s8;
	s7 =	smul.u32 $0x4E, s6  }
0xb: {  	s9 =	smin.u32 s6, $0x4;
	s17 =	sshrl.u32 s16, $0x1;
	s18 =	sadd.s32 s11, s2  }
0xc: {  	s19 =	sadd.s32 s11, s3;
	s20 =	sadd.s32 $0x27000, s3;
	s13 =	ssub.s32 s16, s17  }
0xd: {  	[dreg:$0x6] =	wrdreg s18;
	s1 =	sadd.s32 s1, s12;
	s6 =	sadd.s32 s9, s7  }
0xe: {  	[dreg:$0x9] =	wrdreg s19;
	s1 =	sadd.s32 s9, s1;
	s6 =	sshll.u32 s6, $0x4  }
0xf: {  	[dreg:$0xb] =	wrdreg s20;
	s1 =	sshll.u32 s1, $0x8;
	s26 =	sadd.s32 s6, s0  }
0x10: {  	s0 =	sadd.s32 s15, s0;
	s6 =	sshrl.u32 s11, $0x3;
	s15 =	sadd.s32 $0x27000, s2  }
0x11: {  	s23 =	sadd.s32 $0x4800, s1;
	s11 =	sadd.s32 s1, s10;
	s1 =	simm.s32 $0x5780  }
0x12: {  	s8 =	sadd.s32 s5, s6;
	[dreg:$0x7] =	wrdreg s15;
	s5 =	sadd.s32 $0x4E00, s5  }
0x13: {  	s21 =	sadd.s32 $0xCC00, s26;
	s22 =	sadd.s32 $0xD0E0, s26;
	[dreg:$0x8] =	wrdreg s5  }
0x14: {  	s24 =	sadd.s32 $0xE3E00, s0;
	s17 =	sadd.s32 $0xDA000, s0;
	[dreg:$0xc] =	wrdreg s21  }
0x15: {  	s25 =	sand.u32 $0x1FFF00, s23;
	s26 =	smax.u32 s13, $0x1;
	[dreg:$0xd] =	wrdreg s22  }
0x16: {  	s23 =	simm.s32 $0x2780;
	s0 =	simm.s32 $0x5F80;
	[dreg:$0xe] =	wrdreg s24  }
0x17: {  	s5 =	simm.s32 $0x7;
	[dreg:$0xf] =	wrdreg s26;
	s20 =	sadd.s32 s25, s10  }
0x18: {  	s21 =	simm.s32 $0x6780;
	s22 =	simm.s32 $0x1;
	s24 =	simm.s32 $0x2  }
0x19: {  	s25 =	simm.s32 $0x80;
	s26 =	simm.s32 $0x2F80;
	s5 =	simm.s32 @!p0 $0x6  }
0x1a: {  	p0 =	sne.s32 s14, $0xF;
	[dreg:$0xa] =	wrdreg s5;
	s5 =	simm.s32 $0x0  }
.LBB2_1:
0x1b: {  	s7 =	rddreg [dreg:$0x5]  }
0x1c: {  	[tilespmem:s21], [sflag:$0x1] =	stream.linear.gather [hbm4b:s7+s4], $0x800, $0x38;
	[tilespmem:$0xBDA0] =	vst v63  }
0x1d: {  	s10 =	stileid.u32;
	_ =	swait.ge [sflag:s22], $0x800  }
0x1e: {  	s7 =	sshll.u32 s10, $0x6;
	[sflag:s22] =	ssyncset.done $0x0;
	s9 =	rddreg [dreg:$0x6]  }
0x1f: {  	s7 =	sor.u32 $0x1C01, s7;
	[sflag:s22] =	ssyncadd.s32 $0xFFFFF800;
	s9 =	sshrl.u32 s9, $0x3  }
0x20: {  	[spmem:s9], [sflag:s7] =	dma.local [hbm:s8], $0x4E0  }
0x21: {  	_ =	swait.ge [sflag:s22], $0x4E0  }
0x22: {  	[sflag:s22] =	ssyncset.done $0x0;
	s15 =	rddreg [dreg:$0x9]  }
0x23: {  	s10 =	simm.s32 @p0 $0x1;
	[sflag:s22] =	ssyncadd.s32 $0xFFFFFB20;
	s13 =	sshrl.u32 @p0 s15, $0x3  }
0x24: {  	[spmem:s13], [sflag:s7] =	dma.local @p0 [hbm:s8], $0x4E0  }
0x25: {  	_ =	swait.ge @p0 [sflag:s10], $0x4E0  }
0x26: {  	[sflag:s10] =	ssyncset.done @p0 $0x0  }
0x27: {  	[sflag:s10] =	ssyncadd.s32 @p0 $0xFFFFFB20;
	s10 =	rddreg [dreg:$0x7]  }
0x28: {  	s12 =	rddreg [dreg:$0x8];
	s14 =	sshrl.u32 @!p0 s10, $0x3;
	s10 =	simm.s32 @!p0 $0x1  }
0x29: {  	[spmem:s14], [sflag:s7] =	dma.local @!p0 [hbm:s12], $0x20  }
0x2a: {  	_ =	swait.ge @!p0 [sflag:s10], $0x20  }
0x2b: {  	[sflag:s10] =	ssyncset.done @!p0 $0x0  }
0x2c: {  	s15 =	sshrl.u32 @!p0 s15, $0x3;
	[sflag:s10] =	ssyncadd.s32 @!p0 $0xFFFFFFE0  }
0x2d: {  	[spmem:s15], [sflag:s7] =	dma.local @!p0 [hbm:s8], $0x4E0  }
0x2e: {  	_ =	swait.ge @!p0 [sflag:s10], $0x4E0  }
0x2f: {  	[sflag:s10] =	ssyncset.done @!p0 $0x0;
	s16 =	rddreg [dreg:$0xb]  }
0x30: {  	[sflag:s10] =	ssyncadd.s32 @!p0 $0xFFFFFB20;
	s18 =	sshrl.u32 @!p0 s16, $0x3  }
0x31: {  	[spmem:s18], [sflag:s7] =	dma.local @!p0 [hbm:s12], $0x20  }
0x32: {  	_ =	swait.ge @!p0 [sflag:s10], $0x20  }
0x33: {  	[sflag:s10] =	ssyncset.done @!p0 $0x0  }
0x34: {  	s12 =	rddreg [dreg:$0xc];
	[sflag:s10] =	ssyncadd.s32 @!p0 $0xFFFFFFE0  }
0x35: {  	[tilespmem:s4], [sflag:$0x1] =	stream.linear.gather [hbm4b:s12+s4], $0x2700, $0x38;
	[tilespmem:$0xBDA0] =	vst v63  }
0x36: {  	_ =	swait.ge [sflag:s22], $0x2700  }
0x37: {  	s16 =	simm.s32 @!p1 $0x2700;
	[sflag:s22] =	ssyncset.done $0x0  }
0x38: {  	s10 =	simm.s32 @!p1 $0x0;
	s12 =	rddreg [dreg:$0xd];
	[sflag:s22] =	ssyncadd.s32 $0xFFFFD900  }
0x39: {  	[tilespmem:s16], [sflag:$0x1] =	stream.linear.gather @!p1 [hbm4b:s12+s10], $0x80, $0x38;
	[tilespmem:$0xBDA0] =	vst v63  }
0x3a: {  	s10 =	simm.s32 @!p1 $0x1  }
0x3b: {  	_ =	swait.ge @!p1 [sflag:s10], $0x80  }
0x3c: {  	[sflag:s10] =	ssyncset.done @!p1 $0x0  }
0x3d: {  	[sflag:s10] =	ssyncadd.s32 @!p1 $0xFFFFFF80  }
0x3e: {  	[bflag:$0x0] =	sbarrier.arrive $0xFFFF  }
0x3f: {  	[tilespmem:s23], [sflag:$0x2] =	stream.linear.gather [hbm4b:s11+s4], $0x4000, $0x38;
	[tilespmem:$0xBDA0] =	vst v63  }
0x40: {  	_ =	swait.ge [sflag:s24], $0x4000  }
0x41: {  	[sflag:s24] =	ssyncset.done $0x0  }
0x42: {  	s16 =	simm.s32 $0x0;
	[sflag:s24] =	ssyncadd.s32 $0xFFFFC000  }
0x43: {  	[spmem:s2] =	stream.indirect.scatter.add.f32 [tilespmem:s23], [sflag:$0x2], $0x10, s16, s25, $0xb8;
	[tilespmem:$0xBDA0] =	vst v63  }
0x44: {  	_ =	swait.ge [sflag:s24], $0x800  }
0x45: {  	[sflag:s24] =	ssyncset.done $0x0  }
0x46: {  	[sflag:s24] =	ssyncadd.s32 $0xFFFFF800  }
0x47: {  	[spmem:s3] =	stream.indirect.scatter.add.f32 [tilespmem:s21], [sflag:$0x2], $0x10, s16, s25, $0xb8;
	[tilespmem:$0xBDA0] =	vst v63  }
0x48: {  	_ =	swait.ge [sflag:s24], $0x800  }
0x49: {  	[sflag:s24] =	ssyncset.done $0x0  }
0x4a: {  	s19 =	simm.s32 $0x80;
	[sflag:s24] =	ssyncadd.s32 $0xFFFFF800  }
0x4b: {  	[spmem:s2] =	stream.indirect.scatter.add.f32 [tilespmem:s26], [sflag:$0x2], $0x10, s19, s25, $0xb8;
	[tilespmem:$0xBDA0] =	vst v63  }
0x4c: {  	_ =	swait.ge [sflag:s24], $0x800  }
0x4d: {  	[sflag:s24] =	ssyncset.done $0x0  }
0x4e: {  	[sflag:s24] =	ssyncadd.s32 $0xFFFFF800  }
0x4f: {  	[spmem:s3] =	stream.indirect.scatter.add.f32 [tilespmem:s21], [sflag:$0x2], $0x10, s19, s25, $0xb8;
	[tilespmem:$0xBDA0] =	vst v63  }
0x50: {  	_ =	swait.ge [sflag:s24], $0x800  }
0x51: {  	[sflag:s24] =	ssyncset.done $0x0  }
0x52: {  	s12 =	simm.s32 $0x100;
	[sflag:s24] =	ssyncadd.s32 $0xFFFFF800  }
0x53: {  	[spmem:s2] =	stream.indirect.scatter.add.f32 [tilespmem:s28], [sflag:$0x2], $0x10, s12, s25, $0xb8;
	[tilespmem:$0xBDA0] =	vst v63  }
0x54: {  	_ =	swait.ge [sflag:s24], $0x800  }
0x55: {  	[sflag:s24] =	ssyncset.done $0x0  }
0x56: {  	[sflag:s24] =	ssyncadd.s32 $0xFFFFF800  }
0x57: {  	[spmem:s3] =	stream.indirect.scatter.add.f32 [tilespmem:s21], [sflag:$0x2], $0x10, s12, s25, $0xb8;
	[tilespmem:$0xBDA0] =	vst v63  }
0x58: {  	_ =	swait.ge [sflag:s24], $0x800  }
0x59: {  	[sflag:s24] =	ssyncset.done $0x0  }
0x5a: {  	s16 =	simm.s32 $0x180;
	[sflag:s24] =	ssyncadd.s32 $0xFFFFF800  }
0x5b: {  	[spmem:s2] =	stream.indirect.scatter.add.f32 [tilespmem:s29], [sflag:$0x2], $0x10, s16, s25, $0xb8;
	[tilespmem:$0xBDA0] =	vst v63  }
0x5c: {  	_ =	swait.ge [sflag:s24], $0x800  }
0x5d: {  	[sflag:s24] =	ssyncset.done $0x0  }
0x5e: {  	[sflag:s24] =	ssyncadd.s32 $0xFFFFF800  }
0x5f: {  	[spmem:s3] =	stream.indirect.scatter.add.f32 [tilespmem:s21], [sflag:$0x2], $0x10, s16, s25, $0xb8;
	[tilespmem:$0xBDA0] =	vst v63  }
0x60: {  	_ =	swait.ge [sflag:s24], $0x800  }
0x61: {  	[sflag:s24] =	ssyncset.done $0x0  }
0x62: {  	s19 =	simm.s32 $0x200;
	[sflag:s24] =	ssyncadd.s32 $0xFFFFF800  }
0x63: {  	[spmem:s2] =	stream.indirect.scatter.add.f32 [tilespmem:s30], [sflag:$0x2], $0x10, s19, s25, $0xb8;
	[tilespmem:$0xBDA0] =	vst v63  }
0x64: {  	_ =	swait.ge [sflag:s24], $0x800  }
0x65: {  	[sflag:s24] =	ssyncset.done $0x0  }
0x66: {  	[sflag:s24] =	ssyncadd.s32 $0xFFFFF800  }
0x67: {  	[spmem:s3] =	stream.indirect.scatter.add.f32 [tilespmem:s21], [sflag:$0x2], $0x10, s19, s25, $0xb8;
	[tilespmem:$0xBDA0] =	vst v63  }
0x68: {  	_ =	swait.ge [sflag:s24], $0x800  }
0x69: {  	[sflag:s24] =	ssyncset.done $0x0  }
0x6a: {  	s12 =	simm.s32 $0x280;
	[sflag:s24] =	ssyncadd.s32 $0xFFFFF800  }
0x6b: {  	[spmem:s2] =	stream.indirect.scatter.add.f32 [tilespmem:s31], [sflag:$0x2], $0x10, s12, s25, $0xb8;
	[tilespmem:$0xBDA0] =	vst v63  }
0x6c: {  	_ =	swait.ge [sflag:s24], $0x800  }
0x6d: {  	[sflag:s24] =	ssyncset.done $0x0  }
0x6e: {  	[sflag:s24] =	ssyncadd.s32 $0xFFFFF800  }
0x6f: {  	[spmem:s3] =	stream.indirect.scatter.add.f32 [tilespmem:s21], [sflag:$0x2], $0x10, s12, s25, $0xb8;
	[tilespmem:$0xBDA0] =	vst v63  }
0x70: {  	_ =	swait.ge [sflag:s24], $0x800  }
0x71: {  	[sflag:s24] =	ssyncset.done $0x0  }
0x72: {  	s16 =	simm.s32 $0x300;
	[sflag:s24] =	ssyncadd.s32 $0xFFFFF800  }
0x73: {  	[spmem:s2] =	stream.indirect.scatter.add.f32 [tilespmem:s1], [sflag:$0x2], $0x10, s16, s25, $0xb8;
	[tilespmem:$0xBDA0] =	vst v63  }
0x74: {  	_ =	swait.ge [sflag:s24], $0x800  }
0x75: {  	[sflag:s24] =	ssyncset.done $0x0  }
0x76: {  	[sflag:s24] =	ssyncadd.s32 $0xFFFFF800  }
0x77: {  	[spmem:s3] =	stream.indirect.scatter.add.f32 [tilespmem:s21], [sflag:$0x2], $0x10, s16, s25, $0xb8;
	[tilespmem:$0xBDA0] =	vst v63  }
0x78: {  	_ =	swait.ge [sflag:s24], $0x800  }
0x79: {  	[sflag:s24] =	ssyncset.done $0x0  }
0x7a: {  	s19 =	simm.s32 $0x380;
	[sflag:s24] =	ssyncadd.s32 $0xFFFFF800  }
0x7b: {  	[spmem:s2] =	stream.indirect.scatter.add.f32 [tilespmem:s0], [sflag:$0x2], $0x10, s19, s25, $0xb8;
	[tilespmem:$0xBDA0] =	vst v63  }
0x7c: {  	_ =	swait.ge [sflag:s24], $0x800  }
0x7d: {  	[sflag:s24] =	ssyncset.done $0x0  }
0x7e: {  	[sflag:s24] =	ssyncadd.s32 $0xFFFFF800  }
0x7f: {  	[spmem:s3] =	stream.indirect.scatter.add.f32 [tilespmem:s21], [sflag:$0x1], $0x10, s19, s25, $0xb8;
	[tilespmem:$0xBDA0] =	vst v63  }
0x80: {  	_ =	swait.ge [sflag:s22], $0x800  }
0x81: {  	s10 =	simm.s32 $0x1000;
	s19 =	smov.u32 s11;
	[sflag:s22] =	ssyncset.done $0x0  }
.LBB2_2:
0x82: {  	p2 =	sne.s32 s10, $0x8000;
	[sflag:s22] =	ssyncadd.s32 $0xFFFFF800;
	s19 =	sadd.s32 $0x800, s19  }
0x83: {  	[tilespmem:s23], [sflag:$0x2] =	stream.linear.gather [hbm4b:s19+s4], $0x4000, $0x38;
	[tilespmem:$0xBDA0] =	vst v63  }
0x84: {  	s16 =	smov.u32 s10;
	s10 =	sadd.s32 $0x1000, s10;
	_ =	swait.ge [sflag:s24], $0x4000  }
0x85: {  	[sflag:s24] =	ssyncset.done $0x0  }
0x86: {  	s16 =	sshra.s32 s16, $0x2;
	[sflag:s24] =	ssyncadd.s32 $0xFFFFC000  }
0x87: {  	[spmem:s2] =	stream.indirect.scatter.add.f32 [tilespmem:s23], [sflag:$0x2], $0x10, s16, s25, $0xb8;
	[tilespmem:$0xBDA0] =	vst v63  }
0x88: {  	_ =	swait.ge [sflag:s24], $0x800  }
0x89: {  	[sflag:s24] =	ssyncset.done $0x0  }
0x8a: {  	[sflag:s24] =	ssyncadd.s32 $0xFFFFF800  }
0x8b: {  	[spmem:s3] =	stream.indirect.scatter.add.f32 [tilespmem:s21], [sflag:$0x2], $0x10, s16, s25, $0xb8;
	[tilespmem:$0xBDA0] =	vst v63  }
0x8c: {  	_ =	swait.ge [sflag:s24], $0x800  }
0x8d: {  	[sflag:s24] =	ssyncset.done $0x0  }
0x8e: {  	s12 =	sadd.s32 $0x80, s16;
	[sflag:s24] =	ssyncadd.s32 $0xFFFFF800  }
0x8f: {  	[spmem:s2] =	stream.indirect.scatter.add.f32 [tilespmem:s26], [sflag:$0x2], $0x10, s12, s25, $0xb8;
	[tilespmem:$0xBDA0] =	vst v63  }
0x90: {  	_ =	swait.ge [sflag:s24], $0x800  }
0x91: {  	[sflag:s24] =	ssyncset.done $0x0  }
0x92: {  	[sflag:s24] =	ssyncadd.s32 $0xFFFFF800  }
0x93: {  	[spmem:s3] =	stream.indirect.scatter.add.f32 [tilespmem:s21], [sflag:$0x2], $0x10, s12, s25, $0xb8;
	[tilespmem:$0xBDA0] =	vst v63  }
0x94: {  	_ =	swait.ge [sflag:s24], $0x800  }
0x95: {  	[sflag:s24] =	ssyncset.done $0x0  }
0x96: {  	s12 =	sadd.s32 $0x100, s16;
	[sflag:s24] =	ssyncadd.s32 $0xFFFFF800  }
0x97: {  	[spmem:s2] =	stream.indirect.scatter.add.f32 [tilespmem:s28], [sflag:$0x2], $0x10, s12, s25, $0xb8;
	[tilespmem:$0xBDA0] =	vst v63  }
0x98: {  	_ =	swait.ge [sflag:s24], $0x800  }
0x99: {  	[sflag:s24] =	ssyncset.done $0x0  }
0x9a: {  	[sflag:s24] =	ssyncadd.s32 $0xFFFFF800  }
0x9b: {  	[spmem:s3] =	stream.indirect.scatter.add.f32 [tilespmem:s21], [sflag:$0x2], $0x10, s12, s25, $0xb8;
	[tilespmem:$0xBDA0] =	vst v63  }
0x9c: {  	_ =	swait.ge [sflag:s24], $0x800  }
0x9d: {  	[sflag:s24] =	ssyncset.done $0x0  }
0x9e: {  	s12 =	sadd.s32 $0x180, s16;
	[sflag:s24] =	ssyncadd.s32 $0xFFFFF800  }
0x9f: {  	[spmem:s2] =	stream.indirect.scatter.add.f32 [tilespmem:s29], [sflag:$0x2], $0x10, s12, s25, $0xb8;
	[tilespmem:$0xBDA0] =	vst v63  }
0xa0: {  	_ =	swait.ge [sflag:s24], $0x800  }
0xa1: {  	[sflag:s24] =	ssyncset.done $0x0  }
0xa2: {  	[sflag:s24] =	ssyncadd.s32 $0xFFFFF800  }
0xa3: {  	[spmem:s3] =	stream.indirect.scatter.add.f32 [tilespmem:s21], [sflag:$0x2], $0x10, s12, s25, $0xb8;
	[tilespmem:$0xBDA0] =	vst v63  }
0xa4: {  	_ =	swait.ge [sflag:s24], $0x800  }
0xa5: {  	[sflag:s24] =	ssyncset.done $0x0  }
0xa6: {  	s12 =	sadd.s32 $0x200, s16;
	[sflag:s24] =	ssyncadd.s32 $0xFFFFF800  }
0xa7: {  	[spmem:s2] =	stream.indirect.scatter.add.f32 [tilespmem:s30], [sflag:$0x2], $0x10, s12, s25, $0xb8;
	[tilespmem:$0xBDA0] =	vst v63  }
0xa8: {  	_ =	swait.ge [sflag:s24], $0x800  }
0xa9: {  	[sflag:s24] =	ssyncset.done $0x0  }
0xaa: {  	[sflag:s24] =	ssyncadd.s32 $0xFFFFF800  }
0xab: {  	[spmem:s3] =	stream.indirect.scatter.add.f32 [tilespmem:s21], [sflag:$0x2], $0x10, s12, s25, $0xb8;
	[tilespmem:$0xBDA0] =	vst v63  }
0xac: {  	_ =	swait.ge [sflag:s24], $0x800  }
0xad: {  	[sflag:s24] =	ssyncset.done $0x0  }
0xae: {  	s12 =	sadd.s32 $0x280, s16;
	[sflag:s24] =	ssyncadd.s32 $0xFFFFF800  }
0xaf: {  	[spmem:s2] =	stream.indirect.scatter.add.f32 [tilespmem:s31], [sflag:$0x2], $0x10, s12, s25, $0xb8;
	[tilespmem:$0xBDA0] =	vst v63  }
0xb0: {  	_ =	swait.ge [sflag:s24], $0x800  }
0xb1: {  	[sflag:s24] =	ssyncset.done $0x0  }
0xb2: {  	[sflag:s24] =	ssyncadd.s32 $0xFFFFF800  }
0xb3: {  	[spmem:s3] =	stream.indirect.scatter.add.f32 [tilespmem:s21], [sflag:$0x2], $0x10, s12, s25, $0xb8;
	[tilespmem:$0xBDA0] =	vst v63  }
0xb4: {  	_ =	swait.ge [sflag:s24], $0x800  }
0xb5: {  	[sflag:s24] =	ssyncset.done $0x0  }
0xb6: {  	s12 =	sadd.s32 $0x300, s16;
	[sflag:s24] =	ssyncadd.s32 $0xFFFFF800  }
0xb7: {  	[spmem:s2] =	stream.indirect.scatter.add.f32 [tilespmem:s1], [sflag:$0x2], $0x10, s12, s25, $0xb8;
	[tilespmem:$0xBDA0] =	vst v63  }
0xb8: {  	_ =	swait.ge [sflag:s24], $0x800  }
0xb9: {  	[sflag:s24] =	ssyncset.done $0x0  }
0xba: {  	[sflag:s24] =	ssyncadd.s32 $0xFFFFF800  }
0xbb: {  	[spmem:s3] =	stream.indirect.scatter.add.f32 [tilespmem:s21], [sflag:$0x2], $0x10, s12, s25, $0xb8;
	[tilespmem:$0xBDA0] =	vst v63  }
0xbc: {  	_ =	swait.ge [sflag:s24], $0x800  }
0xbd: {  	[sflag:s24] =	ssyncset.done $0x0  }
0xbe: {  	s12 =	sadd.s32 $0x380, s16;
	[sflag:s24] =	ssyncadd.s32 $0xFFFFF800  }
0xbf: {  	[spmem:s2] =	stream.indirect.scatter.add.f32 [tilespmem:s0], [sflag:$0x2], $0x10, s12, s25, $0xb8;
	[tilespmem:$0xBDA0] =	vst v63  }
0xc0: {  	_ =	swait.ge [sflag:s24], $0x800  }
.Ltmp0:
0xc1: {  	[sflag:s24] =	ssyncset.done $0x0;
	(pc) =	sbr.rel @p2 .LBB2_2-.Ltmp0, $4  }
0xc2: {  	[sflag:s24] =	ssyncadd.s32 $0xFFFFF800  }
0xc3: {  	[spmem:s3] =	stream.indirect.scatter.add.f32 [tilespmem:s21], [sflag:$0x1], $0x10, s12, s25, $0xb8;
	[tilespmem:$0xBDA0] =	vst v63  }
0xc4: {  	_ =	swait.ge [sflag:s22], $0x800  }
0xc5: {  	[sflag:s22] =	ssyncset.done $0x0  }
0xc6: {  	[sflag:s22] =	ssyncadd.s32 $0xFFFFF800  }
0xc7: {  	[tilespmem:s23], [sflag:$0x1] =	stream.linear.gather [hbm4b:s20+s4], $0x800, $0x38;
	[tilespmem:$0xBDA0] =	vst v63  }
0xc8: {  	_ =	swait.ge [sflag:s22], $0x800  }
0xc9: {  	[sflag:s22] =	ssyncset.done $0x0  }
0xca: {  	s10 =	simm.s32 $0x2400;
	[sflag:s22] =	ssyncadd.s32 $0xFFFFF800  }
0xcb: {  	[spmem:s2] =	stream.indirect.scatter.add.f32 [tilespmem:s23], [sflag:$0x1], $0x10, s10, s25, $0xb8;
	[tilespmem:$0xBDA0] =	vst v63  }
0xcc: {  	_ =	swait.ge [sflag:s22], $0x800  }
0xcd: {  	s12 =	rddreg [dreg:$0xa]  }
0xce: {  	p2 =	sne.s32 s12, $0x1  }
.Ltmp1:
0xcf: {  	[sflag:s22] =	ssyncset.done $0x0;
	(pc) =	sbr.rel @!p2 .LBB2_5-.Ltmp1, $4  }
0xd0: {  	[sflag:s22] =	ssyncadd.s32 $0xFFFFF800  }
0xd1: {  	[spmem:s3] =	stream.indirect.scatter.add.f32 [tilespmem:s21], [sflag:$0x1], $0x10, s10, s25, $0xb8;
	[tilespmem:$0xBDA0] =	vst v63  }
0xd2: {  	_ =	swait.ge [sflag:s22], $0x800  }
0xd3: {  	s19 =	smov.u32 s20;
	s16 =	sadd.s32 $0xFFFFFFFF, s12;
	[sflag:s22] =	ssyncset.done $0x0  }
.LBB2_4:
0xd4: {  	[sflag:s22] =	ssyncadd.s32 $0xFFFFF800;
	s10 =	sadd.s32 $0x80, s10;
	s19 =	sadd.s32 $0x100, s19  }
0xd5: {  	[tilespmem:s23], [sflag:$0x1] =	stream.linear.gather [hbm4b:s19+s4], $0x800, $0x38;
	[tilespmem:$0xBDA0] =	vst v63  }
0xd6: {  	p2 =	sne.s32 s16, $0x1;
	s16 =	sadd.s32 $0xFFFFFFFF, s16;
	_ =	swait.ge [sflag:s22], $0x800  }
0xd7: {  	[sflag:s22] =	ssyncset.done $0x0  }
0xd8: {  	[sflag:s22] =	ssyncadd.s32 $0xFFFFF800  }
0xd9: {  	[spmem:s2] =	stream.indirect.scatter.add.f32 [tilespmem:s23], [sflag:$0x1], $0x10, s10, s25, $0xb8;
	[tilespmem:$0xBDA0] =	vst v63  }
0xda: {  	_ =	swait.ge [sflag:s22], $0x800  }
.Ltmp2:
0xdb: {  	[sflag:s22] =	ssyncset.done $0x0;
	(pc) =	sbr.rel @p2 .LBB2_4-.Ltmp2, $4  }
0xdc: {  	[sflag:s22] =	ssyncadd.s32 $0xFFFFF800  }
0xdd: {  	[spmem:s3] =	stream.indirect.scatter.add.f32 [tilespmem:s21], [sflag:$0x1], $0x10, s10, s25, $0xb8;
	[tilespmem:$0xBDA0] =	vst v63  }
0xde: {  	_ =	swait.ge [sflag:s22], $0x800  }
0xdf: {  	[sflag:s22] =	ssyncset.done $0x0  }
.LBB2_5:
0xe0: {  	[sflag:s22] =	ssyncadd.s32 $0xFFFFF800  }
0xe1: {  	[bflag:$0x0] =	sbarrier.arrive $0xFFFF  }
0xe2: {  	s12 =	rddreg [dreg:$0xe]  }
0xe3: {  	s10 =	sadd.s32 s6, s12  }
0xe4: {  	[hbm:s10], [sflag:s7] =	dma.local [spmem:s9], $0x4E0  }
0xe5: {  	_ =	swait.ge [sflag:s22], $0x4E0  }
0xe6: {  	[sflag:s22] =	ssyncset.done $0x0  }
0xe7: {  	s9 =	sadd.s32 @p0 s6, s17;
	[sflag:s22] =	ssyncadd.s32 $0xFFFFFB20  }
0xe8: {  	[hbm:s9], [sflag:s7] =	dma.local @p0 [spmem:s13], $0x4E0  }
0xe9: {  	s9 =	simm.s32 @p0 $0x1  }
0xea: {  	_ =	swait.ge @p0 [sflag:s9], $0x4E0  }
0xeb: {  	[sflag:s9] =	ssyncset.done @p0 $0x0  }
0xec: {  	[sflag:s9] =	ssyncadd.s32 @p0 $0xFFFFFB20;
	s9 =	sadd.s32 @!p0 $0x4E00, s12  }
0xed: {  	[hbm:s9], [sflag:s7] =	dma.local @!p0 [spmem:s14], $0x20  }
0xee: {  	s9 =	simm.s32 @!p0 $0x1  }
0xef: {  	_ =	swait.ge @!p0 [sflag:s9], $0x20  }
0xf0: {  	[sflag:s9] =	ssyncset.done @!p0 $0x0  }
0xf1: {  	s10 =	sadd.s32 @!p0 s6, s17;
	[sflag:s9] =	ssyncadd.s32 @!p0 $0xFFFFFFE0  }
0xf2: {  	[hbm:s10], [sflag:s7] =	dma.local @!p0 [spmem:s15], $0x4E0  }
0xf3: {  	_ =	swait.ge @!p0 [sflag:s9], $0x4E0  }
0xf4: {  	[sflag:s9] =	ssyncset.done @!p0 $0x0  }
0xf5: {  	s10 =	sadd.s32 @!p0 $0x4E00, s17;
	[sflag:s9] =	ssyncadd.s32 @!p0 $0xFFFFFB20  }
0xf6: {  	[hbm:s10], [sflag:s7] =	dma.local @!p0 [spmem:s18], $0x20  }
0xf7: {  	_ =	swait.ge @!p0 [sflag:s9], $0x20  }
0xf8: {  	s5 =	sadd.s32 $0x1, s5;
	s19 =	rddreg [dreg:$0xf]  }
0xf9: {  	p2 =	sne.s32 s5, s19  }
.Ltmp3:
0xfa: {  	_ = 	snop;
	(pc) =	sbr.rel @p2 .LBB2_1-.Ltmp3, $3  }
0xfb: {  	_ =	sdelay $0x1  }
0xfc: {  	[sflag:s9] =	ssyncset.done @!p0 $0x0  }
0xfd: {  	[sflag:s9] =	ssyncadd.s32 @!p0 $0xFFFFFFE0  }
0xfe: {  	_ =	sfence.sel $0x180000  }
0xff: {  	[bflag:$0x0] =	sbarrier.arrive $0xFFFF  }
0x100: {  	_ =	strace $0x9000004A  }
0x101: {  	s0 =	stileid.u32;
	[bflag:$0x2] =	sbarrier.arrive $0xFFFF  }
0x102: {  	p0 =	sne.s32 s0, $0x0;
	s0 =	rddreg [dreg:$0x4]  }
0x103: {  	s0 =	sadd.s32 @!p0 $0x100000, s0  }
0x104: {  	[sflag:s0] =	ssyncadd.tile.s32 @!p0 $0x1;
	_ =	shalt  }
.Lfunc_end2:
_tile_overlayer_lowered:
.L_overlay_start_2:
0x105: {  	(tag) =	ssettag $0x2  }
0x106: {  	s0 =	rddreg [dreg:$0x0];
	s2 =	stileid.u32  }
0x107: {  	s1 =	rddreg [dreg:$0x1];
	p0 =	sne.s32 s2, $0x0  }
0x108: {  	s3 =	rddreg [dreg:$0x2];
	[bflag:$0x3] =	sbarrier.arrive $0xFFFF;
	s2 =	simm.s32 @!p0 $0x1C01  }
0x109: {  	[timem:s3], [sflag:s2] =	dma.local @!p0 [hbm:s0], s1  }
0x10a: {  	s0 =	simm.s32 @!p0 $0x1  }
0x10b: {  	_ =	swait.ge @!p0 [sflag:s0], s1  }
0x10c: {  	s1 =	ssub.s32 @!p0 $0x0, s1;
	[sflag:s0] =	ssyncset.done @!p0 $0x0  }
0x10d: {  	[sflag:s0] =	ssyncadd.s32 @!p0 s1  }
0x10e: {  	[bflag:$0x3] =	sbarrier.arrive $0xFFFF  }
0x10f: {  	_ =	shalt  }

</sc_bundles>
